<compile_context>
chip_gen: v7x
topology: tpu7x:2x2x1
jax: 0.10.2.dev20260603
libtpu: 0.0.44.dev20260713+nightly
codegen_flags: <defaults>
</compile_context>

<pallas_src>
import functools

import jax
import jax.numpy as jnp
from jax import lax
from jax.experimental import pallas as pl
from jax.experimental.pallas import tpu as pltpu
from jax.experimental.pallas import tpu_sc as plsc

TOPK = 3000
NPAD = 3072
B = 512
M = NPAD // B
IOU_T = 0.6

NSRC = 20000
NACT = 32
PW = NPAD // NACT
LANES = 16


def _sc_gather_body(boxesf_ref, idx_ref, bTf_ref, idx_v, fidx_v, col_v, sem):
    wid = lax.axis_index("s") * 2 + lax.axis_index("c")
    base = wid * PW
    pltpu.sync_copy(idx_ref.at[pl.ds(base, PW)], idx_v)
    lane = lax.iota(jnp.int32, LANES)
    for c in range(4):
        for t in range(PW // LANES):
            x = idx_v[pl.ds(t * LANES, LANES)]
            grow = base + t * LANES + lane
            fx = jnp.where(grow < TOPK, x * 4 + c, NSRC * 4 + 8 * wid)
            fidx_v[pl.ds(c * PW + t * LANES, LANES)] = fx
    pltpu.async_copy(boxesf_ref.at[fidx_v], col_v, sem).wait()
    for c in range(4):
        pltpu.sync_copy(
            col_v.at[pl.ds(c * PW, PW)],
            bTf_ref.at[pl.ds(c * NPAD + base, PW)],
        )


_sc_gather = functools.partial(
    pl.kernel,
    mesh=plsc.VectorSubcoreMesh(core_axis_name="c", subcore_axis_name="s"),
    out_type=jax.ShapeDtypeStruct((4 * NPAD,), jnp.float32),
    scratch_types=[
        pltpu.VMEM((PW,), jnp.int32),
        pltpu.VMEM((4 * PW,), jnp.int32),
        pltpu.VMEM((4 * PW,), jnp.float32),
        pltpu.SemaphoreType.DMA,
    ],
)(_sc_gather_body)


def _nms_body(bTf_ref, bTb_ref, sT_ref, out_ref, keep_ref):
    i = pl.program_id(0)

    @pl.when(i == 0)
    def _init():
        keep_ref[...] = jnp.ones((M, B), jnp.float32)

    cb = bTb_ref[...]
    cx1, cy1, cx2, cy2 = cb[0:1, :], cb[1:2, :], cb[2:3, :], cb[3:4, :]
    carea = (cx2 - cx1) * (cy2 - cy1)

    rx1 = jnp.swapaxes(cx1, 0, 1)
    ry1 = jnp.swapaxes(cy1, 0, 1)
    rx2 = jnp.swapaxes(cx2, 0, 1)
    ry2 = jnp.swapaxes(cy2, 0, 1)
    rarea = (rx2 - rx1) * (ry2 - ry1)

    xx1 = jnp.maximum(rx1, cx1)
    yy1 = jnp.maximum(ry1, cy1)
    xx2 = jnp.minimum(rx2, cx2)
    yy2 = jnp.minimum(ry2, cy2)
    iw = jnp.maximum(xx2 - xx1, 0.0)
    ih = jnp.maximum(yy2 - yy1, 0.0)
    inter = iw * ih
    union = rarea + carea - inter
    iou = inter / (union + 1e-9)
    rowi = lax.broadcasted_iota(jnp.int32, (B, B), 0)
    coli = lax.broadcasted_iota(jnp.int32, (B, B), 1)
    sup_ut = ((iou > IOU_T) & (rowi < coli)).astype(jnp.bfloat16)

    kb0 = keep_ref[pl.ds(i, 1), :]

    def fstep(x):
        hit = jnp.dot(
            x.astype(jnp.bfloat16), sup_ut, preferred_element_type=jnp.float32
        )
        return jnp.where(hit > 0.0, 0.0, kb0)

    def cond(c):
        xprev, x = c
        return jnp.any(xprev != x)

    def body(c):
        _, x = c
        return (x, fstep(x))

    _, kb = lax.while_loop(cond, body, (kb0, fstep(kb0)))
    keep_ref[pl.ds(i, 1), :] = kb

    ab = bTf_ref[...]
    ax1, ay1, ax2, ay2 = ab[0:1, :], ab[1:2, :], ab[2:3, :], ab[3:4, :]
    aarea = (ax2 - ax1) * (ay2 - ay1)
    xx1a = jnp.maximum(rx1, ax1)
    yy1a = jnp.maximum(ry1, ay1)
    xx2a = jnp.minimum(rx2, ax2)
    yy2a = jnp.minimum(ry2, ay2)
    iwa = jnp.maximum(xx2a - xx1a, 0.0)
    iha = jnp.maximum(yy2a - yy1a, 0.0)
    intera = iwa * iha
    uniona = rarea + aarea - intera
    ind = ((intera / (uniona + 1e-9)) > IOU_T).astype(jnp.bfloat16)
    supc = jnp.dot(
        kb.astype(jnp.bfloat16), ind, preferred_element_type=jnp.float32
    )
    sup2 = supc.reshape(M, B) > 0.0
    rows = lax.broadcasted_iota(jnp.int32, (M, B), 0)
    keep_ref[...] = jnp.where((rows > i) & sup2, 0.0, keep_ref[...])

    out_ref[0:4, :] = cb * kb
    out_ref[4:5, :] = sT_ref[...] * kb


def kernel(boxes, scores):
    top_scores, idx = lax.top_k(scores, TOPK)
    idx_pad = jnp.concatenate(
        [idx, jnp.zeros((NPAD - TOPK,), idx.dtype)]
    )
    boxesf = jnp.concatenate(
        [boxes.reshape(-1), jnp.zeros((8 * NACT,), boxes.dtype)]
    )
    bTf = _sc_gather(boxesf, idx_pad)
    bT = bTf.reshape(4, NPAD)
    sp = jnp.concatenate(
        [top_scores, jnp.zeros((NPAD - TOPK,), top_scores.dtype)]
    )
    sT = sp[None, :]
    outT = pl.pallas_call(
        _nms_body,
        grid=(M,),
        in_specs=[
            pl.BlockSpec((4, NPAD), lambda i: (0, 0)),
            pl.BlockSpec((4, B), lambda i: (0, i)),
            pl.BlockSpec((1, B), lambda i: (0, i)),
        ],
        out_specs=pl.BlockSpec((5, B), lambda i: (0, i)),
        out_shape=jax.ShapeDtypeStruct((5, NPAD), jnp.float32),
        scratch_shapes=[
            pltpu.VMEM((M, B), jnp.float32),
        ],
    )(bT, bT, sT)
    return outT.T[:TOPK]

# --- scband reference (transcript-rebuilt; emitter-appended) ---
"""Pipeline reference for scband-optimized-car-damage-model-61065845015417 (READ-ONLY COPY).

The authoritative reference and input builder live on the scoring server;
editing this copy changes nothing except your own understanding.
"""

import jax, jax.numpy as jnp
import numpy as np

N = 20000
PRE_NMS_TOP_N = 3000
IOU_THRESH = 0.6


def setup_inputs(seed: int = 0) -> dict:
    key = jax.random.key(seed)
    k1, k2, k3 = jax.random.split(key, 3)
    # Valid boxes in a 512x512 image: centers + sizes -> (x1, y1, x2, y2)
    cxcy = jax.random.uniform(k1, (N, 2), dtype=jnp.float32) * 512.0
    wh = jax.random.uniform(k2, (N, 2), dtype=jnp.float32) * 64.0 + 4.0
    boxes = jnp.concatenate([cxcy - wh / 2.0, cxcy + wh / 2.0], axis=1)
    scores = jax.random.uniform(k3, (N,), dtype=jnp.float32)
    return {"boxes": boxes, "scores": scores}


def _iou_matrix(b):
    x1, y1, x2, y2 = b[:, 0], b[:, 1], b[:, 2], b[:, 3]
    area = (x2 - x1) * (y2 - y1)
    xx1 = jnp.maximum(x1[:, None], x1[None, :])
    yy1 = jnp.maximum(y1[:, None], y1[None, :])
    xx2 = jnp.minimum(x2[:, None], x2[None, :])
    yy2 = jnp.minimum(y2[:, None], y2[None, :])
    iw = jnp.clip(xx2 - xx1, 0.0)
    ih = jnp.clip(yy2 - yy1, 0.0)
    inter = iw * ih
    union = area[:, None] + area[None, :] - inter
    return inter / (union + 1e-9)


def reference(boxes, scores):
    # 1) pre-NMS top-k selection (RPN pre_nms_top_n = 3000)
    top_scores, idx = jax.lax.top_k(scores, PRE_NMS_TOP_N)
    b = jnp.take(boxes, idx, axis=0)
    # 2) pairwise IoU over the surviving candidates
    iou = _iou_matrix(b)
    n = PRE_NMS_TOP_N
    ar = jnp.arange(n)
    keep0 = jnp.ones((n,), dtype=bool)

    # 3) greedy NMS over score-sorted boxes (iou_thresh = 0.6)
    def body(i, keep):
        sup = (iou[i] > IOU_THRESH) & (ar > i) & keep[i]
        return keep & (~sup)

    keep = jax.lax.fori_loop(0, n, body, keep0)
    km = keep.astype(b.dtype)
    out = jnp.concatenate([b * km[:, None], (top_scores * km)[:, None]], axis=1)
    return out

if __name__ == "__main__":
    import jax
    _d = setup_inputs()
    print(jax.jit(kernel)(*tuple(_d.values())))

</pallas_src>

<mosaic_0001>
#map = affine_map<(d0, d1) -> (0)>
module attributes {stable_mosaic.version = 14 : i64} {
  func.func @_sc_gather_body(%arg0: i32, %arg1: i32, %arg2: memref<80256xf32, #tpu.memory_space<hbm>>, %arg3: memref<3072xi32, #tpu.memory_space<hbm>>, %arg4: memref<12288xf32, #tpu.memory_space<hbm>>, %arg5: memref<96xi32, #tpu.memory_space<vmem>>, %arg6: memref<384xi32, #tpu.memory_space<vmem>>, %arg7: memref<384xf32, #tpu.memory_space<vmem>>, %arg8: memref<!tpu.dma_semaphore, #tpu.memory_space<semaphore_mem>>) attributes {dimension_semantics = [#tpu.dimension_semantics<core_parallel>, #tpu.dimension_semantics<subcore_parallel>], iteration_bounds = array<i64: 2, 16>, scalar_prefetch = 0 : i64, scratch_operands = 4 : i64, tpu.core_type = #tpu.core_type<sc_vector_subcore>, window_params = [{transform_indices = #map}, {transform_indices = #map}, {transform_indices = #map}]} {
    %mul3A = arith.constant 2 : i32
    %mul3A_0 = arith.muli %arg1, %mul3A : i32
    %add3A = arith.addi %mul3A_0, %arg0 : i32
    %mul3A_1 = arith.constant 96 : i32
    %mul3A_2 = arith.muli %add3A, %mul3A_1 : i32
    "tpu.region"() ({
      %run_scoped3A = tpu.sem_alloc : memref<!tpu.dma_semaphore, #tpu.memory_space<semaphore_mem>>
      %dma_start3A_632 = tpu.memref_slice %arg3[%mul3A_2] : memref<3072xi32, #tpu.memory_space<hbm>> -> memref<96xi32, #tpu.memory_space<hbm>>
      %dma_start3A_633 = tpu.memref_slice %arg3[%mul3A_2] : memref<3072xi32, #tpu.memory_space<hbm>> -> memref<96xi32, #tpu.memory_space<hbm>>
      tpu.enqueue_dma source(%dma_start3A_633 : memref<96xi32, #tpu.memory_space<hbm>>) target(%arg5 : memref<96xi32, #tpu.memory_space<vmem>>) target_semaphore(%run_scoped3A : memref<!tpu.dma_semaphore, #tpu.memory_space<semaphore_mem>>)
      %dma_wait3A_634 = tpu.memref_slice %arg3[%mul3A_2] : memref<3072xi32, #tpu.memory_space<hbm>> -> memref<96xi32, #tpu.memory_space<hbm>>
      %dma_wait3A_635 = tpu.memref_slice %arg3[%mul3A_2] : memref<3072xi32, #tpu.memory_space<hbm>> -> memref<96xi32, #tpu.memory_space<hbm>>
      tpu.wait_dma2 semaphore(%run_scoped3A : memref<!tpu.dma_semaphore, #tpu.memory_space<semaphore_mem>>) src(%dma_wait3A_635 : memref<96xi32, #tpu.memory_space<hbm>>) dst(%arg5 : memref<96xi32, #tpu.memory_space<vmem>>)
      tpu.yield
    }) : () -> ()
    %iota3A = tpu.iota {dimensions = array<i32: 0>} : vector<16xi32>
    %get3A = arith.constant 0 : index
    %get3A_3 = tpu.vector_load %arg5[%get3A] {strides = array<i32>} : memref<96xi32, #tpu.memory_space<vmem>>, vector<16xi32>,
    %get3A_4 = vector.shape_cast %get3A_3 : vector<16xi32> to vector<16xi32>
    %add3A_5 = arith.constant 0 : i32
    %add3A_6 = arith.addi %mul3A_2, %add3A_5 : i32
    %add3A_7 = vector.broadcast %add3A_6 : i32 to vector<16xi32>
    %add3A_8 = arith.addi %add3A_7, %iota3A : vector<16xi32>
    %lt3A = arith.constant 3000 : i32
    %lt3A_9 = vector.broadcast %lt3A : i32 to vector<16xi32>
    %lt3A_10 = arith.cmpi slt, %add3A_8, %lt3A_9 : vector<16xi32>
    %mul3A_11 = arith.constant 4 : i32
    %mul3A_12 = vector.broadcast %mul3A_11 : i32 to vector<16xi32>
    %mul3A_13 = arith.muli %get3A_4, %mul3A_12 : vector<16xi32>
    %add3A_14 = arith.constant 0 : i32
    %add3A_15 = vector.broadcast %add3A_14 : i32 to vector<16xi32>
    %add3A_16 = arith.addi %mul3A_13, %add3A_15 : vector<16xi32>
    %mul3A_17 = arith.constant 8 : i32
    %mul3A_18 = arith.muli %mul3A_17, %add3A : i32
    %add3A_19 = arith.constant 80000 : i32
    %add3A_20 = arith.addi %add3A_19, %mul3A_18 : i32
    %broadcast_in_dim3A = vector.broadcast %add3A_20 : i32 to vector<16xi32>
    %select_n3A = arith.select %lt3A_10, %add3A_16, %broadcast_in_dim3A : vector<16xi1>, vector<16xi32>
    %swap3A = arith.constant 0 : index
    %swap3A_21 = tpu.vector_load %arg6[%swap3A] {strides = array<i32>} : memref<384xi32, #tpu.memory_space<vmem>>, vector<16xi32>,
    %swap3A_22 = vector.shape_cast %swap3A_21 : vector<16xi32> to vector<16xi32>
    %swap3A_23 = vector.shape_cast %select_n3A : vector<16xi32> to vector<16xi32>
    tpu.vector_store %arg6[%swap3A], %swap3A_23 {strides = array<i32>} : memref<384xi32, #tpu.memory_space<vmem>>, vector<16xi32>,
    %get3A_24 = arith.constant 16 : index
    %get3A_25 = tpu.vector_load %arg5[%get3A_24] {strides = array<i32>} : memref<96xi32, #tpu.memory_space<vmem>>, vector<16xi32>,
    %get3A_26 = vector.shape_cast %get3A_25 : vector<16xi32> to vector<16xi32>
    %add3A_27 = arith.constant 16 : i32
    %add3A_28 = arith.addi %mul3A_2, %add3A_27 : i32
    %add3A_29 = vector.broadcast %add3A_28 : i32 to vector<16xi32>
    %add3A_30 = arith.addi %add3A_29, %iota3A : vector<16xi32>
    %lt3A_31 = arith.constant 3000 : i32
    %lt3A_32 = vector.broadcast %lt3A_31 : i32 to vector<16xi32>
    %lt3A_33 = arith.cmpi slt, %add3A_30, %lt3A_32 : vector<16xi32>
    %mul3A_34 = arith.constant 4 : i32
    %mul3A_35 = vector.broadcast %mul3A_34 : i32 to vector<16xi32>
    %mul3A_36 = arith.muli %get3A_26, %mul3A_35 : vector<16xi32>
    %add3A_37 = arith.constant 0 : i32
    %add3A_38 = vector.broadcast %add3A_37 : i32 to vector<16xi32>
    %add3A_39 = arith.addi %mul3A_36, %add3A_38 : vector<16xi32>
    %mul3A_40 = arith.constant 8 : i32
    %mul3A_41 = arith.muli %mul3A_40, %add3A : i32
    %add3A_42 = arith.constant 80000 : i32
    %add3A_43 = arith.addi %add3A_42, %mul3A_41 : i32
    %broadcast_in_dim3A_44 = vector.broadcast %add3A_43 : i32 to vector<16xi32>
    %select_n3A_45 = arith.select %lt3A_33, %add3A_39, %broadcast_in_dim3A_44 : vector<16xi1>, vector<16xi32>
    %swap3A_46 = arith.constant 16 : index
    %swap3A_47 = tpu.vector_load %arg6[%swap3A_46] {strides = array<i32>} : memref<384xi32, #tpu.memory_space<vmem>>, vector<16xi32>,
    %swap3A_48 = vector.shape_cast %swap3A_47 : vector<16xi32> to vector<16xi32>
    %swap3A_49 = vector.shape_cast %select_n3A_45 : vector<16xi32> to vector<16xi32>
    tpu.vector_store %arg6[%swap3A_46], %swap3A_49 {strides = array<i32>} : memref<384xi32, #tpu.memory_space<vmem>>, vector<16xi32>,
    %get3A_50 = arith.constant 32 : index
    %get3A_51 = tpu.vector_load %arg5[%get3A_50] {strides = array<i32>} : memref<96xi32, #tpu.memory_space<vmem>>, vector<16xi32>,
    %get3A_52 = vector.shape_cast %get3A_51 : vector<16xi32> to vector<16xi32>
    %add3A_53 = arith.constant 32 : i32
    %add3A_54 = arith.addi %mul3A_2, %add3A_53 : i32
    %add3A_55 = vector.broadcast %add3A_54 : i32 to vector<16xi32>
    %add3A_56 = arith.addi %add3A_55, %iota3A : vector<16xi32>
    %lt3A_57 = arith.constant 3000 : i32
    %lt3A_58 = vector.broadcast %lt3A_57 : i32 to vector<16xi32>
    %lt3A_59 = arith.cmpi slt, %add3A_56, %lt3A_58 : vector<16xi32>
    %mul3A_60 = arith.constant 4 : i32
    %mul3A_61 = vector.broadcast %mul3A_60 : i32 to vector<16xi32>
    %mul3A_62 = arith.muli %get3A_52, %mul3A_61 : vector<16xi32>
    %add3A_63 = arith.constant 0 : i32
    %add3A_64 = vector.broadcast %add3A_63 : i32 to vector<16xi32>
    %add3A_65 = arith.addi %mul3A_62, %add3A_64 : vector<16xi32>
    %mul3A_66 = arith.constant 8 : i32
    %mul3A_67 = arith.muli %mul3A_66, %add3A : i32
    %add3A_68 = arith.constant 80000 : i32
    %add3A_69 = arith.addi %add3A_68, %mul3A_67 : i32
    %broadcast_in_dim3A_70 = vector.broadcast %add3A_69 : i32 to vector<16xi32>
    %select_n3A_71 = arith.select %lt3A_59, %add3A_65, %broadcast_in_dim3A_70 : vector<16xi1>, vector<16xi32>
    %swap3A_72 = arith.constant 32 : index
    %swap3A_73 = tpu.vector_load %arg6[%swap3A_72] {strides = array<i32>} : memref<384xi32, #tpu.memory_space<vmem>>, vector<16xi32>,
    %swap3A_74 = vector.shape_cast %swap3A_73 : vector<16xi32> to vector<16xi32>
    %swap3A_75 = vector.shape_cast %select_n3A_71 : vector<16xi32> to vector<16xi32>
    tpu.vector_store %arg6[%swap3A_72], %swap3A_75 {strides = array<i32>} : memref<384xi32, #tpu.memory_space<vmem>>, vector<16xi32>,
    %get3A_76 = arith.constant 48 : index
    %get3A_77 = tpu.vector_load %arg5[%get3A_76] {strides = array<i32>} : memref<96xi32, #tpu.memory_space<vmem>>, vector<16xi32>,
    %get3A_78 = vector.shape_cast %get3A_77 : vector<16xi32> to vector<16xi32>
    %add3A_79 = arith.constant 48 : i32
    %add3A_80 = arith.addi %mul3A_2, %add3A_79 : i32
    %add3A_81 = vector.broadcast %add3A_80 : i32 to vector<16xi32>
    %add3A_82 = arith.addi %add3A_81, %iota3A : vector<16xi32>
    %lt3A_83 = arith.constant 3000 : i32
    %lt3A_84 = vector.broadcast %lt3A_83 : i32 to vector<16xi32>
    %lt3A_85 = arith.cmpi slt, %add3A_82, %lt3A_84 : vector<16xi32>
    %mul3A_86 = arith.constant 4 : i32
    %mul3A_87 = vector.broadcast %mul3A_86 : i32 to vector<16xi32>
    %mul3A_88 = arith.muli %get3A_78, %mul3A_87 : vector<16xi32>
    %add3A_89 = arith.constant 0 : i32
    %add3A_90 = vector.broadcast %add3A_89 : i32 to vector<16xi32>
    %add3A_91 = arith.addi %mul3A_88, %add3A_90 : vector<16xi32>
    %mul3A_92 = arith.constant 8 : i32
    %mul3A_93 = arith.muli %mul3A_92, %add3A : i32
    %add3A_94 = arith.constant 80000 : i32
    %add3A_95 = arith.addi %add3A_94, %mul3A_93 : i32
    %broadcast_in_dim3A_96 = vector.broadcast %add3A_95 : i32 to vector<16xi32>
    %select_n3A_97 = arith.select %lt3A_85, %add3A_91, %broadcast_in_dim3A_96 : vector<16xi1>, vector<16xi32>
    %swap3A_98 = arith.constant 48 : index
    %swap3A_99 = tpu.vector_load %arg6[%swap3A_98] {strides = array<i32>} : memref<384xi32, #tpu.memory_space<vmem>>, vector<16xi32>,
    %swap3A_100 = vector.shape_cast %swap3A_99 : vector<16xi32> to vector<16xi32>
    %swap3A_101 = vector.shape_cast %select_n3A_97 : vector<16xi32> to vector<16xi32>
    tpu.vector_store %arg6[%swap3A_98], %swap3A_101 {strides = array<i32>} : memref<384xi32, #tpu.memory_space<vmem>>, vector<16xi32>,
    %get3A_102 = arith.constant 64 : index
    %get3A_103 = tpu.vector_load %arg5[%get3A_102] {strides = array<i32>} : memref<96xi32, #tpu.memory_space<vmem>>, vector<16xi32>,
    %get3A_104 = vector.shape_cast %get3A_103 : vector<16xi32> to vector<16xi32>
    %add3A_105 = arith.constant 64 : i32
    %add3A_106 = arith.addi %mul3A_2, %add3A_105 : i32
    %add3A_107 = vector.broadcast %add3A_106 : i32 to vector<16xi32>
    %add3A_108 = arith.addi %add3A_107, %iota3A : vector<16xi32>
    %lt3A_109 = arith.constant 3000 : i32
    %lt3A_110 = vector.broadcast %lt3A_109 : i32 to vector<16xi32>
    %lt3A_111 = arith.cmpi slt, %add3A_108, %lt3A_110 : vector<16xi32>
    %mul3A_112 = arith.constant 4 : i32
    %mul3A_113 = vector.broadcast %mul3A_112 : i32 to vector<16xi32>
    %mul3A_114 = arith.muli %get3A_104, %mul3A_113 : vector<16xi32>
    %add3A_115 = arith.constant 0 : i32
    %add3A_116 = vector.broadcast %add3A_115 : i32 to vector<16xi32>
    %add3A_117 = arith.addi %mul3A_114, %add3A_116 : vector<16xi32>
    %mul3A_118 = arith.constant 8 : i32
    %mul3A_119 = arith.muli %mul3A_118, %add3A : i32
    %add3A_120 = arith.constant 80000 : i32
    %add3A_121 = arith.addi %add3A_120, %mul3A_119 : i32
    %broadcast_in_dim3A_122 = vector.broadcast %add3A_121 : i32 to vector<16xi32>
    %select_n3A_123 = arith.select %lt3A_111, %add3A_117, %broadcast_in_dim3A_122 : vector<16xi1>, vector<16xi32>
    %swap3A_124 = arith.constant 64 : index
    %swap3A_125 = tpu.vector_load %arg6[%swap3A_124] {strides = array<i32>} : memref<384xi32, #tpu.memory_space<vmem>>, vector<16xi32>,
    %swap3A_126 = vector.shape_cast %swap3A_125 : vector<16xi32> to vector<16xi32>
    %swap3A_127 = vector.shape_cast %select_n3A_123 : vector<16xi32> to vector<16xi32>
    tpu.vector_store %arg6[%swap3A_124], %swap3A_127 {strides = array<i32>} : memref<384xi32, #tpu.memory_space<vmem>>, vector<16xi32>,
    %get3A_128 = arith.constant 80 : index
    %get3A_129 = tpu.vector_load %arg5[%get3A_128] {strides = array<i32>} : memref<96xi32, #tpu.memory_space<vmem>>, vector<16xi32>,
    %get3A_130 = vector.shape_cast %get3A_129 : vector<16xi32> to vector<16xi32>
    %add3A_131 = arith.constant 80 : i32
    %add3A_132 = arith.addi %mul3A_2, %add3A_131 : i32
    %add3A_133 = vector.broadcast %add3A_132 : i32 to vector<16xi32>
    %add3A_134 = arith.addi %add3A_133, %iota3A : vector<16xi32>
    %lt3A_135 = arith.constant 3000 : i32
    %lt3A_136 = vector.broadcast %lt3A_135 : i32 to vector<16xi32>
    %lt3A_137 = arith.cmpi slt, %add3A_134, %lt3A_136 : vector<16xi32>
    %mul3A_138 = arith.constant 4 : i32
    %mul3A_139 = vector.broadcast %mul3A_138 : i32 to vector<16xi32>
    %mul3A_140 = arith.muli %get3A_130, %mul3A_139 : vector<16xi32>
    %add3A_141 = arith.constant 0 : i32
    %add3A_142 = vector.broadcast %add3A_141 : i32 to vector<16xi32>
    %add3A_143 = arith.addi %mul3A_140, %add3A_142 : vector<16xi32>
    %mul3A_144 = arith.constant 8 : i32
    %mul3A_145 = arith.muli %mul3A_144, %add3A : i32
    %add3A_146 = arith.constant 80000 : i32
    %add3A_147 = arith.addi %add3A_146, %mul3A_145 : i32
    %broadcast_in_dim3A_148 = vector.broadcast %add3A_147 : i32 to vector<16xi32>
    %select_n3A_149 = arith.select %lt3A_137, %add3A_143, %broadcast_in_dim3A_148 : vector<16xi1>, vector<16xi32>
    %swap3A_150 = arith.constant 80 : index
    %swap3A_151 = tpu.vector_load %arg6[%swap3A_150] {strides = array<i32>} : memref<384xi32, #tpu.memory_space<vmem>>, vector<16xi32>,
    %swap3A_152 = vector.shape_cast %swap3A_151 : vector<16xi32> to vector<16xi32>
    %swap3A_153 = vector.shape_cast %select_n3A_149 : vector<16xi32> to vector<16xi32>
    tpu.vector_store %arg6[%swap3A_150], %swap3A_153 {strides = array<i32>} : memref<384xi32, #tpu.memory_space<vmem>>, vector<16xi32>,
    %get3A_154 = arith.constant 0 : index
    %get3A_155 = tpu.vector_load %arg5[%get3A_154] {strides = array<i32>} : memref<96xi32, #tpu.memory_space<vmem>>, vector<16xi32>,
    %get3A_156 = vector.shape_cast %get3A_155 : vector<16xi32> to vector<16xi32>
    %add3A_157 = arith.constant 0 : i32
    %add3A_158 = arith.addi %mul3A_2, %add3A_157 : i32
    %add3A_159 = vector.broadcast %add3A_158 : i32 to vector<16xi32>
    %add3A_160 = arith.addi %add3A_159, %iota3A : vector<16xi32>
    %lt3A_161 = arith.constant 3000 : i32
    %lt3A_162 = vector.broadcast %lt3A_161 : i32 to vector<16xi32>
    %lt3A_163 = arith.cmpi slt, %add3A_160, %lt3A_162 : vector<16xi32>
    %mul3A_164 = arith.constant 4 : i32
    %mul3A_165 = vector.broadcast %mul3A_164 : i32 to vector<16xi32>
    %mul3A_166 = arith.muli %get3A_156, %mul3A_165 : vector<16xi32>
    %add3A_167 = arith.constant 1 : i32
    %add3A_168 = vector.broadcast %add3A_167 : i32 to vector<16xi32>
    %add3A_169 = arith.addi %mul3A_166, %add3A_168 : vector<16xi32>
    %mul3A_170 = arith.constant 8 : i32
    %mul3A_171 = arith.muli %mul3A_170, %add3A : i32
    %add3A_172 = arith.constant 80000 : i32
    %add3A_173 = arith.addi %add3A_172, %mul3A_171 : i32
    %broadcast_in_dim3A_174 = vector.broadcast %add3A_173 : i32 to vector<16xi32>
    %select_n3A_175 = arith.select %lt3A_163, %add3A_169, %broadcast_in_dim3A_174 : vector<16xi1>, vector<16xi32>
    %swap3A_176 = arith.constant 96 : index
    %swap3A_177 = tpu.vector_load %arg6[%swap3A_176] {strides = array<i32>} : memref<384xi32, #tpu.memory_space<vmem>>, vector<16xi32>,
    %swap3A_178 = vector.shape_cast %swap3A_177 : vector<16xi32> to vector<16xi32>
    %swap3A_179 = vector.shape_cast %select_n3A_175 : vector<16xi32> to vector<16xi32>
    tpu.vector_store %arg6[%swap3A_176], %swap3A_179 {strides = array<i32>} : memref<384xi32, #tpu.memory_space<vmem>>, vector<16xi32>,
    %get3A_180 = arith.constant 16 : index
    %get3A_181 = tpu.vector_load %arg5[%get3A_180] {strides = array<i32>} : memref<96xi32, #tpu.memory_space<vmem>>, vector<16xi32>,
    %get3A_182 = vector.shape_cast %get3A_181 : vector<16xi32> to vector<16xi32>
    %add3A_183 = arith.constant 16 : i32
    %add3A_184 = arith.addi %mul3A_2, %add3A_183 : i32
    %add3A_185 = vector.broadcast %add3A_184 : i32 to vector<16xi32>
    %add3A_186 = arith.addi %add3A_185, %iota3A : vector<16xi32>
    %lt3A_187 = arith.constant 3000 : i32
    %lt3A_188 = vector.broadcast %lt3A_187 : i32 to vector<16xi32>
    %lt3A_189 = arith.cmpi slt, %add3A_186, %lt3A_188 : vector<16xi32>
    %mul3A_190 = arith.constant 4 : i32
    %mul3A_191 = vector.broadcast %mul3A_190 : i32 to vector<16xi32>
    %mul3A_192 = arith.muli %get3A_182, %mul3A_191 : vector<16xi32>
    %add3A_193 = arith.constant 1 : i32
    %add3A_194 = vector.broadcast %add3A_193 : i32 to vector<16xi32>
    %add3A_195 = arith.addi %mul3A_192, %add3A_194 : vector<16xi32>
    %mul3A_196 = arith.constant 8 : i32
    %mul3A_197 = arith.muli %mul3A_196, %add3A : i32
    %add3A_198 = arith.constant 80000 : i32
    %add3A_199 = arith.addi %add3A_198, %mul3A_197 : i32
    %broadcast_in_dim3A_200 = vector.broadcast %add3A_199 : i32 to vector<16xi32>
    %select_n3A_201 = arith.select %lt3A_189, %add3A_195, %broadcast_in_dim3A_200 : vector<16xi1>, vector<16xi32>
    %swap3A_202 = arith.constant 112 : index
    %swap3A_203 = tpu.vector_load %arg6[%swap3A_202] {strides = array<i32>} : memref<384xi32, #tpu.memory_space<vmem>>, vector<16xi32>,
    %swap3A_204 = vector.shape_cast %swap3A_203 : vector<16xi32> to vector<16xi32>
    %swap3A_205 = vector.shape_cast %select_n3A_201 : vector<16xi32> to vector<16xi32>
    tpu.vector_store %arg6[%swap3A_202], %swap3A_205 {strides = array<i32>} : memref<384xi32, #tpu.memory_space<vmem>>, vector<16xi32>,
    %get3A_206 = arith.constant 32 : index
    %get3A_207 = tpu.vector_load %arg5[%get3A_206] {strides = array<i32>} : memref<96xi32, #tpu.memory_space<vmem>>, vector<16xi32>,
    %get3A_208 = vector.shape_cast %get3A_207 : vector<16xi32> to vector<16xi32>
    %add3A_209 = arith.constant 32 : i32
    %add3A_210 = arith.addi %mul3A_2, %add3A_209 : i32
    %add3A_211 = vector.broadcast %add3A_210 : i32 to vector<16xi32>
    %add3A_212 = arith.addi %add3A_211, %iota3A : vector<16xi32>
    %lt3A_213 = arith.constant 3000 : i32
    %lt3A_214 = vector.broadcast %lt3A_213 : i32 to vector<16xi32>
    %lt3A_215 = arith.cmpi slt, %add3A_212, %lt3A_214 : vector<16xi32>
    %mul3A_216 = arith.constant 4 : i32
    %mul3A_217 = vector.broadcast %mul3A_216 : i32 to vector<16xi32>
    %mul3A_218 = arith.muli %get3A_208, %mul3A_217 : vector<16xi32>
    %add3A_219 = arith.constant 1 : i32
    %add3A_220 = vector.broadcast %add3A_219 : i32 to vector<16xi32>
    %add3A_221 = arith.addi %mul3A_218, %add3A_220 : vector<16xi32>
    %mul3A_222 = arith.constant 8 : i32
    %mul3A_223 = arith.muli %mul3A_222, %add3A : i32
    %add3A_224 = arith.constant 80000 : i32
    %add3A_225 = arith.addi %add3A_224, %mul3A_223 : i32
    %broadcast_in_dim3A_226 = vector.broadcast %add3A_225 : i32 to vector<16xi32>
    %select_n3A_227 = arith.select %lt3A_215, %add3A_221, %broadcast_in_dim3A_226 : vector<16xi1>, vector<16xi32>
    %swap3A_228 = arith.constant 128 : index
    %swap3A_229 = tpu.vector_load %arg6[%swap3A_228] {strides = array<i32>} : memref<384xi32, #tpu.memory_space<vmem>>, vector<16xi32>,
    %swap3A_230 = vector.shape_cast %swap3A_229 : vector<16xi32> to vector<16xi32>
    %swap3A_231 = vector.shape_cast %select_n3A_227 : vector<16xi32> to vector<16xi32>
    tpu.vector_store %arg6[%swap3A_228], %swap3A_231 {strides = array<i32>} : memref<384xi32, #tpu.memory_space<vmem>>, vector<16xi32>,
    %get3A_232 = arith.constant 48 : index
    %get3A_233 = tpu.vector_load %arg5[%get3A_232] {strides = array<i32>} : memref<96xi32, #tpu.memory_space<vmem>>, vector<16xi32>,
    %get3A_234 = vector.shape_cast %get3A_233 : vector<16xi32> to vector<16xi32>
    %add3A_235 = arith.constant 48 : i32
    %add3A_236 = arith.addi %mul3A_2, %add3A_235 : i32
    %add3A_237 = vector.broadcast %add3A_236 : i32 to vector<16xi32>
    %add3A_238 = arith.addi %add3A_237, %iota3A : vector<16xi32>
    %lt3A_239 = arith.constant 3000 : i32
    %lt3A_240 = vector.broadcast %lt3A_239 : i32 to vector<16xi32>
    %lt3A_241 = arith.cmpi slt, %add3A_238, %lt3A_240 : vector<16xi32>
    %mul3A_242 = arith.constant 4 : i32
    %mul3A_243 = vector.broadcast %mul3A_242 : i32 to vector<16xi32>
    %mul3A_244 = arith.muli %get3A_234, %mul3A_243 : vector<16xi32>
    %add3A_245 = arith.constant 1 : i32
    %add3A_246 = vector.broadcast %add3A_245 : i32 to vector<16xi32>
    %add3A_247 = arith.addi %mul3A_244, %add3A_246 : vector<16xi32>
    %mul3A_248 = arith.constant 8 : i32
    %mul3A_249 = arith.muli %mul3A_248, %add3A : i32
    %add3A_250 = arith.constant 80000 : i32
    %add3A_251 = arith.addi %add3A_250, %mul3A_249 : i32
    %broadcast_in_dim3A_252 = vector.broadcast %add3A_251 : i32 to vector<16xi32>
    %select_n3A_253 = arith.select %lt3A_241, %add3A_247, %broadcast_in_dim3A_252 : vector<16xi1>, vector<16xi32>
    %swap3A_254 = arith.constant 144 : index
    %swap3A_255 = tpu.vector_load %arg6[%swap3A_254] {strides = array<i32>} : memref<384xi32, #tpu.memory_space<vmem>>, vector<16xi32>,
    %swap3A_256 = vector.shape_cast %swap3A_255 : vector<16xi32> to vector<16xi32>
    %swap3A_257 = vector.shape_cast %select_n3A_253 : vector<16xi32> to vector<16xi32>
    tpu.vector_store %arg6[%swap3A_254], %swap3A_257 {strides = array<i32>} : memref<384xi32, #tpu.memory_space<vmem>>, vector<16xi32>,
    %get3A_258 = arith.constant 64 : index
    %get3A_259 = tpu.vector_load %arg5[%get3A_258] {strides = array<i32>} : memref<96xi32, #tpu.memory_space<vmem>>, vector<16xi32>,
    %get3A_260 = vector.shape_cast %get3A_259 : vector<16xi32> to vector<16xi32>
    %add3A_261 = arith.constant 64 : i32
    %add3A_262 = arith.addi %mul3A_2, %add3A_261 : i32
    %add3A_263 = vector.broadcast %add3A_262 : i32 to vector<16xi32>
    %add3A_264 = arith.addi %add3A_263, %iota3A : vector<16xi32>
    %lt3A_265 = arith.constant 3000 : i32
    %lt3A_266 = vector.broadcast %lt3A_265 : i32 to vector<16xi32>
    %lt3A_267 = arith.cmpi slt, %add3A_264, %lt3A_266 : vector<16xi32>
    %mul3A_268 = arith.constant 4 : i32
    %mul3A_269 = vector.broadcast %mul3A_268 : i32 to vector<16xi32>
    %mul3A_270 = arith.muli %get3A_260, %mul3A_269 : vector<16xi32>
    %add3A_271 = arith.constant 1 : i32
    %add3A_272 = vector.broadcast %add3A_271 : i32 to vector<16xi32>
    %add3A_273 = arith.addi %mul3A_270, %add3A_272 : vector<16xi32>
    %mul3A_274 = arith.constant 8 : i32
    %mul3A_275 = arith.muli %mul3A_274, %add3A : i32
    %add3A_276 = arith.constant 80000 : i32
    %add3A_277 = arith.addi %add3A_276, %mul3A_275 : i32
    %broadcast_in_dim3A_278 = vector.broadcast %add3A_277 : i32 to vector<16xi32>
    %select_n3A_279 = arith.select %lt3A_267, %add3A_273, %broadcast_in_dim3A_278 : vector<16xi1>, vector<16xi32>
    %swap3A_280 = arith.constant 160 : index
    %swap3A_281 = tpu.vector_load %arg6[%swap3A_280] {strides = array<i32>} : memref<384xi32, #tpu.memory_space<vmem>>, vector<16xi32>,
    %swap3A_282 = vector.shape_cast %swap3A_281 : vector<16xi32> to vector<16xi32>
    %swap3A_283 = vector.shape_cast %select_n3A_279 : vector<16xi32> to vector<16xi32>
    tpu.vector_store %arg6[%swap3A_280], %swap3A_283 {strides = array<i32>} : memref<384xi32, #tpu.memory_space<vmem>>, vector<16xi32>,
    %get3A_284 = arith.constant 80 : index
    %get3A_285 = tpu.vector_load %arg5[%get3A_284] {strides = array<i32>} : memref<96xi32, #tpu.memory_space<vmem>>, vector<16xi32>,
    %get3A_286 = vector.shape_cast %get3A_285 : vector<16xi32> to vector<16xi32>
    %add3A_287 = arith.constant 80 : i32
    %add3A_288 = arith.addi %mul3A_2, %add3A_287 : i32
    %add3A_289 = vector.broadcast %add3A_288 : i32 to vector<16xi32>
    %add3A_290 = arith.addi %add3A_289, %iota3A : vector<16xi32>
    %lt3A_291 = arith.constant 3000 : i32
    %lt3A_292 = vector.broadcast %lt3A_291 : i32 to vector<16xi32>
    %lt3A_293 = arith.cmpi slt, %add3A_290, %lt3A_292 : vector<16xi32>
    %mul3A_294 = arith.constant 4 : i32
    %mul3A_295 = vector.broadcast %mul3A_294 : i32 to vector<16xi32>
    %mul3A_296 = arith.muli %get3A_286, %mul3A_295 : vector<16xi32>
    %add3A_297 = arith.constant 1 : i32
    %add3A_298 = vector.broadcast %add3A_297 : i32 to vector<16xi32>
    %add3A_299 = arith.addi %mul3A_296, %add3A_298 : vector<16xi32>
    %mul3A_300 = arith.constant 8 : i32
    %mul3A_301 = arith.muli %mul3A_300, %add3A : i32
    %add3A_302 = arith.constant 80000 : i32
    %add3A_303 = arith.addi %add3A_302, %mul3A_301 : i32
    %broadcast_in_dim3A_304 = vector.broadcast %add3A_303 : i32 to vector<16xi32>
    %select_n3A_305 = arith.select %lt3A_293, %add3A_299, %broadcast_in_dim3A_304 : vector<16xi1>, vector<16xi32>
    %swap3A_306 = arith.constant 176 : index
    %swap3A_307 = tpu.vector_load %arg6[%swap3A_306] {strides = array<i32>} : memref<384xi32, #tpu.memory_space<vmem>>, vector<16xi32>,
    %swap3A_308 = vector.shape_cast %swap3A_307 : vector<16xi32> to vector<16xi32>
    %swap3A_309 = vector.shape_cast %select_n3A_305 : vector<16xi32> to vector<16xi32>
    tpu.vector_store %arg6[%swap3A_306], %swap3A_309 {strides = array<i32>} : memref<384xi32, #tpu.memory_space<vmem>>, vector<16xi32>,
    %get3A_310 = arith.constant 0 : index
    %get3A_311 = tpu.vector_load %arg5[%get3A_310] {strides = array<i32>} : memref<96xi32, #tpu.memory_space<vmem>>, vector<16xi32>,
    %get3A_312 = vector.shape_cast %get3A_311 : vector<16xi32> to vector<16xi32>
    %add3A_313 = arith.constant 0 : i32
    %add3A_314 = arith.addi %mul3A_2, %add3A_313 : i32
    %add3A_315 = vector.broadcast %add3A_314 : i32 to vector<16xi32>
    %add3A_316 = arith.addi %add3A_315, %iota3A : vector<16xi32>
    %lt3A_317 = arith.constant 3000 : i32
    %lt3A_318 = vector.broadcast %lt3A_317 : i32 to vector<16xi32>
    %lt3A_319 = arith.cmpi slt, %add3A_316, %lt3A_318 : vector<16xi32>
    %mul3A_320 = arith.constant 4 : i32
    %mul3A_321 = vector.broadcast %mul3A_320 : i32 to vector<16xi32>
    %mul3A_322 = arith.muli %get3A_312, %mul3A_321 : vector<16xi32>
    %add3A_323 = arith.constant 2 : i32
    %add3A_324 = vector.broadcast %add3A_323 : i32 to vector<16xi32>
    %add3A_325 = arith.addi %mul3A_322, %add3A_324 : vector<16xi32>
    %mul3A_326 = arith.constant 8 : i32
    %mul3A_327 = arith.muli %mul3A_326, %add3A : i32
    %add3A_328 = arith.constant 80000 : i32
    %add3A_329 = arith.addi %add3A_328, %mul3A_327 : i32
    %broadcast_in_dim3A_330 = vector.broadcast %add3A_329 : i32 to vector<16xi32>
    %select_n3A_331 = arith.select %lt3A_319, %add3A_325, %broadcast_in_dim3A_330 : vector<16xi1>, vector<16xi32>
    %swap3A_332 = arith.constant 192 : index
    %swap3A_333 = tpu.vector_load %arg6[%swap3A_332] {strides = array<i32>} : memref<384xi32, #tpu.memory_space<vmem>>, vector<16xi32>,
    %swap3A_334 = vector.shape_cast %swap3A_333 : vector<16xi32> to vector<16xi32>
    %swap3A_335 = vector.shape_cast %select_n3A_331 : vector<16xi32> to vector<16xi32>
    tpu.vector_store %arg6[%swap3A_332], %swap3A_335 {strides = array<i32>} : memref<384xi32, #tpu.memory_space<vmem>>, vector<16xi32>,
    %get3A_336 = arith.constant 16 : index
    %get3A_337 = tpu.vector_load %arg5[%get3A_336] {strides = array<i32>} : memref<96xi32, #tpu.memory_space<vmem>>, vector<16xi32>,
    %get3A_338 = vector.shape_cast %get3A_337 : vector<16xi32> to vector<16xi32>
    %add3A_339 = arith.constant 16 : i32
    %add3A_340 = arith.addi %mul3A_2, %add3A_339 : i32
    %add3A_341 = vector.broadcast %add3A_340 : i32 to vector<16xi32>
    %add3A_342 = arith.addi %add3A_341, %iota3A : vector<16xi32>
    %lt3A_343 = arith.constant 3000 : i32
    %lt3A_344 = vector.broadcast %lt3A_343 : i32 to vector<16xi32>
    %lt3A_345 = arith.cmpi slt, %add3A_342, %lt3A_344 : vector<16xi32>
    %mul3A_346 = arith.constant 4 : i32
    %mul3A_347 = vector.broadcast %mul3A_346 : i32 to vector<16xi32>
    %mul3A_348 = arith.muli %get3A_338, %mul3A_347 : vector<16xi32>
    %add3A_349 = arith.constant 2 : i32
    %add3A_350 = vector.broadcast %add3A_349 : i32 to vector<16xi32>
    %add3A_351 = arith.addi %mul3A_348, %add3A_350 : vector<16xi32>
    %mul3A_352 = arith.constant 8 : i32
    %mul3A_353 = arith.muli %mul3A_352, %add3A : i32
    %add3A_354 = arith.constant 80000 : i32
    %add3A_355 = arith.addi %add3A_354, %mul3A_353 : i32
    %broadcast_in_dim3A_356 = vector.broadcast %add3A_355 : i32 to vector<16xi32>
    %select_n3A_357 = arith.select %lt3A_345, %add3A_351, %broadcast_in_dim3A_356 : vector<16xi1>, vector<16xi32>
    %swap3A_358 = arith.constant 208 : index
    %swap3A_359 = tpu.vector_load %arg6[%swap3A_358] {strides = array<i32>} : memref<384xi32, #tpu.memory_space<vmem>>, vector<16xi32>,
    %swap3A_360 = vector.shape_cast %swap3A_359 : vector<16xi32> to vector<16xi32>
    %swap3A_361 = vector.shape_cast %select_n3A_357 : vector<16xi32> to vector<16xi32>
    tpu.vector_store %arg6[%swap3A_358], %swap3A_361 {strides = array<i32>} : memref<384xi32, #tpu.memory_space<vmem>>, vector<16xi32>,
    %get3A_362 = arith.constant 32 : index
    %get3A_363 = tpu.vector_load %arg5[%get3A_362] {strides = array<i32>} : memref<96xi32, #tpu.memory_space<vmem>>, vector<16xi32>,
    %get3A_364 = vector.shape_cast %get3A_363 : vector<16xi32> to vector<16xi32>
    %add3A_365 = arith.constant 32 : i32
    %add3A_366 = arith.addi %mul3A_2, %add3A_365 : i32
    %add3A_367 = vector.broadcast %add3A_366 : i32 to vector<16xi32>
    %add3A_368 = arith.addi %add3A_367, %iota3A : vector<16xi32>
    %lt3A_369 = arith.constant 3000 : i32
    %lt3A_370 = vector.broadcast %lt3A_369 : i32 to vector<16xi32>
    %lt3A_371 = arith.cmpi slt, %add3A_368, %lt3A_370 : vector<16xi32>
    %mul3A_372 = arith.constant 4 : i32
    %mul3A_373 = vector.broadcast %mul3A_372 : i32 to vector<16xi32>
    %mul3A_374 = arith.muli %get3A_364, %mul3A_373 : vector<16xi32>
    %add3A_375 = arith.constant 2 : i32
    %add3A_376 = vector.broadcast %add3A_375 : i32 to vector<16xi32>
    %add3A_377 = arith.addi %mul3A_374, %add3A_376 : vector<16xi32>
    %mul3A_378 = arith.constant 8 : i32
    %mul3A_379 = arith.muli %mul3A_378, %add3A : i32
    %add3A_380 = arith.constant 80000 : i32
    %add3A_381 = arith.addi %add3A_380, %mul3A_379 : i32
    %broadcast_in_dim3A_382 = vector.broadcast %add3A_381 : i32 to vector<16xi32>
    %select_n3A_383 = arith.select %lt3A_371, %add3A_377, %broadcast_in_dim3A_382 : vector<16xi1>, vector<16xi32>
    %swap3A_384 = arith.constant 224 : index
    %swap3A_385 = tpu.vector_load %arg6[%swap3A_384] {strides = array<i32>} : memref<384xi32, #tpu.memory_space<vmem>>, vector<16xi32>,
    %swap3A_386 = vector.shape_cast %swap3A_385 : vector<16xi32> to vector<16xi32>
    %swap3A_387 = vector.shape_cast %select_n3A_383 : vector<16xi32> to vector<16xi32>
    tpu.vector_store %arg6[%swap3A_384], %swap3A_387 {strides = array<i32>} : memref<384xi32, #tpu.memory_space<vmem>>, vector<16xi32>,
    %get3A_388 = arith.constant 48 : index
    %get3A_389 = tpu.vector_load %arg5[%get3A_388] {strides = array<i32>} : memref<96xi32, #tpu.memory_space<vmem>>, vector<16xi32>,
    %get3A_390 = vector.shape_cast %get3A_389 : vector<16xi32> to vector<16xi32>
    %add3A_391 = arith.constant 48 : i32
    %add3A_392 = arith.addi %mul3A_2, %add3A_391 : i32
    %add3A_393 = vector.broadcast %add3A_392 : i32 to vector<16xi32>
    %add3A_394 = arith.addi %add3A_393, %iota3A : vector<16xi32>
    %lt3A_395 = arith.constant 3000 : i32
    %lt3A_396 = vector.broadcast %lt3A_395 : i32 to vector<16xi32>
    %lt3A_397 = arith.cmpi slt, %add3A_394, %lt3A_396 : vector<16xi32>
    %mul3A_398 = arith.constant 4 : i32
    %mul3A_399 = vector.broadcast %mul3A_398 : i32 to vector<16xi32>
    %mul3A_400 = arith.muli %get3A_390, %mul3A_399 : vector<16xi32>
    %add3A_401 = arith.constant 2 : i32
    %add3A_402 = vector.broadcast %add3A_401 : i32 to vector<16xi32>
    %add3A_403 = arith.addi %mul3A_400, %add3A_402 : vector<16xi32>
    %mul3A_404 = arith.constant 8 : i32
    %mul3A_405 = arith.muli %mul3A_404, %add3A : i32
    %add3A_406 = arith.constant 80000 : i32
    %add3A_407 = arith.addi %add3A_406, %mul3A_405 : i32
    %broadcast_in_dim3A_408 = vector.broadcast %add3A_407 : i32 to vector<16xi32>
    %select_n3A_409 = arith.select %lt3A_397, %add3A_403, %broadcast_in_dim3A_408 : vector<16xi1>, vector<16xi32>
    %swap3A_410 = arith.constant 240 : index
    %swap3A_411 = tpu.vector_load %arg6[%swap3A_410] {strides = array<i32>} : memref<384xi32, #tpu.memory_space<vmem>>, vector<16xi32>,
    %swap3A_412 = vector.shape_cast %swap3A_411 : vector<16xi32> to vector<16xi32>
    %swap3A_413 = vector.shape_cast %select_n3A_409 : vector<16xi32> to vector<16xi32>
    tpu.vector_store %arg6[%swap3A_410], %swap3A_413 {strides = array<i32>} : memref<384xi32, #tpu.memory_space<vmem>>, vector<16xi32>,
    %get3A_414 = arith.constant 64 : index
    %get3A_415 = tpu.vector_load %arg5[%get3A_414] {strides = array<i32>} : memref<96xi32, #tpu.memory_space<vmem>>, vector<16xi32>,
    %get3A_416 = vector.shape_cast %get3A_415 : vector<16xi32> to vector<16xi32>
    %add3A_417 = arith.constant 64 : i32
    %add3A_418 = arith.addi %mul3A_2, %add3A_417 : i32
    %add3A_419 = vector.broadcast %add3A_418 : i32 to vector<16xi32>
    %add3A_420 = arith.addi %add3A_419, %iota3A : vector<16xi32>
    %lt3A_421 = arith.constant 3000 : i32
    %lt3A_422 = vector.broadcast %lt3A_421 : i32 to vector<16xi32>
    %lt3A_423 = arith.cmpi slt, %add3A_420, %lt3A_422 : vector<16xi32>
    %mul3A_424 = arith.constant 4 : i32
    %mul3A_425 = vector.broadcast %mul3A_424 : i32 to vector<16xi32>
    %mul3A_426 = arith.muli %get3A_416, %mul3A_425 : vector<16xi32>
    %add3A_427 = arith.constant 2 : i32
    %add3A_428 = vector.broadcast %add3A_427 : i32 to vector<16xi32>
    %add3A_429 = arith.addi %mul3A_426, %add3A_428 : vector<16xi32>
    %mul3A_430 = arith.constant 8 : i32
    %mul3A_431 = arith.muli %mul3A_430, %add3A : i32
    %add3A_432 = arith.constant 80000 : i32
    %add3A_433 = arith.addi %add3A_432, %mul3A_431 : i32
    %broadcast_in_dim3A_434 = vector.broadcast %add3A_433 : i32 to vector<16xi32>
    %select_n3A_435 = arith.select %lt3A_423, %add3A_429, %broadcast_in_dim3A_434 : vector<16xi1>, vector<16xi32>
    %swap3A_436 = arith.constant 256 : index
    %swap3A_437 = tpu.vector_load %arg6[%swap3A_436] {strides = array<i32>} : memref<384xi32, #tpu.memory_space<vmem>>, vector<16xi32>,
    %swap3A_438 = vector.shape_cast %swap3A_437 : vector<16xi32> to vector<16xi32>
    %swap3A_439 = vector.shape_cast %select_n3A_435 : vector<16xi32> to vector<16xi32>
    tpu.vector_store %arg6[%swap3A_436], %swap3A_439 {strides = array<i32>} : memref<384xi32, #tpu.memory_space<vmem>>, vector<16xi32>,
    %get3A_440 = arith.constant 80 : index
    %get3A_441 = tpu.vector_load %arg5[%get3A_440] {strides = array<i32>} : memref<96xi32, #tpu.memory_space<vmem>>, vector<16xi32>,
    %get3A_442 = vector.shape_cast %get3A_441 : vector<16xi32> to vector<16xi32>
    %add3A_443 = arith.constant 80 : i32
    %add3A_444 = arith.addi %mul3A_2, %add3A_443 : i32
    %add3A_445 = vector.broadcast %add3A_444 : i32 to vector<16xi32>
    %add3A_446 = arith.addi %add3A_445, %iota3A : vector<16xi32>
    %lt3A_447 = arith.constant 3000 : i32
    %lt3A_448 = vector.broadcast %lt3A_447 : i32 to vector<16xi32>
    %lt3A_449 = arith.cmpi slt, %add3A_446, %lt3A_448 : vector<16xi32>
    %mul3A_450 = arith.constant 4 : i32
    %mul3A_451 = vector.broadcast %mul3A_450 : i32 to vector<16xi32>
    %mul3A_452 = arith.muli %get3A_442, %mul3A_451 : vector<16xi32>
    %add3A_453 = arith.constant 2 : i32
    %add3A_454 = vector.broadcast %add3A_453 : i32 to vector<16xi32>
    %add3A_455 = arith.addi %mul3A_452, %add3A_454 : vector<16xi32>
    %mul3A_456 = arith.constant 8 : i32
    %mul3A_457 = arith.muli %mul3A_456, %add3A : i32
    %add3A_458 = arith.constant 80000 : i32
    %add3A_459 = arith.addi %add3A_458, %mul3A_457 : i32
    %broadcast_in_dim3A_460 = vector.broadcast %add3A_459 : i32 to vector<16xi32>
    %select_n3A_461 = arith.select %lt3A_449, %add3A_455, %broadcast_in_dim3A_460 : vector<16xi1>, vector<16xi32>
    %swap3A_462 = arith.constant 272 : index
    %swap3A_463 = tpu.vector_load %arg6[%swap3A_462] {strides = array<i32>} : memref<384xi32, #tpu.memory_space<vmem>>, vector<16xi32>,
    %swap3A_464 = vector.shape_cast %swap3A_463 : vector<16xi32> to vector<16xi32>
    %swap3A_465 = vector.shape_cast %select_n3A_461 : vector<16xi32> to vector<16xi32>
    tpu.vector_store %arg6[%swap3A_462], %swap3A_465 {strides = array<i32>} : memref<384xi32, #tpu.memory_space<vmem>>, vector<16xi32>,
    %get3A_466 = arith.constant 0 : index
    %get3A_467 = tpu.vector_load %arg5[%get3A_466] {strides = array<i32>} : memref<96xi32, #tpu.memory_space<vmem>>, vector<16xi32>,
    %get3A_468 = vector.shape_cast %get3A_467 : vector<16xi32> to vector<16xi32>
    %add3A_469 = arith.constant 0 : i32
    %add3A_470 = arith.addi %mul3A_2, %add3A_469 : i32
    %add3A_471 = vector.broadcast %add3A_470 : i32 to vector<16xi32>
    %add3A_472 = arith.addi %add3A_471, %iota3A : vector<16xi32>
    %lt3A_473 = arith.constant 3000 : i32
    %lt3A_474 = vector.broadcast %lt3A_473 : i32 to vector<16xi32>
    %lt3A_475 = arith.cmpi slt, %add3A_472, %lt3A_474 : vector<16xi32>
    %mul3A_476 = arith.constant 4 : i32
    %mul3A_477 = vector.broadcast %mul3A_476 : i32 to vector<16xi32>
    %mul3A_478 = arith.muli %get3A_468, %mul3A_477 : vector<16xi32>
    %add3A_479 = arith.constant 3 : i32
    %add3A_480 = vector.broadcast %add3A_479 : i32 to vector<16xi32>
    %add3A_481 = arith.addi %mul3A_478, %add3A_480 : vector<16xi32>
    %mul3A_482 = arith.constant 8 : i32
    %mul3A_483 = arith.muli %mul3A_482, %add3A : i32
    %add3A_484 = arith.constant 80000 : i32
    %add3A_485 = arith.addi %add3A_484, %mul3A_483 : i32
    %broadcast_in_dim3A_486 = vector.broadcast %add3A_485 : i32 to vector<16xi32>
    %select_n3A_487 = arith.select %lt3A_475, %add3A_481, %broadcast_in_dim3A_486 : vector<16xi1>, vector<16xi32>
    %swap3A_488 = arith.constant 288 : index
    %swap3A_489 = tpu.vector_load %arg6[%swap3A_488] {strides = array<i32>} : memref<384xi32, #tpu.memory_space<vmem>>, vector<16xi32>,
    %swap3A_490 = vector.shape_cast %swap3A_489 : vector<16xi32> to vector<16xi32>
    %swap3A_491 = vector.shape_cast %select_n3A_487 : vector<16xi32> to vector<16xi32>
    tpu.vector_store %arg6[%swap3A_488], %swap3A_491 {strides = array<i32>} : memref<384xi32, #tpu.memory_space<vmem>>, vector<16xi32>,
    %get3A_492 = arith.constant 16 : index
    %get3A_493 = tpu.vector_load %arg5[%get3A_492] {strides = array<i32>} : memref<96xi32, #tpu.memory_space<vmem>>, vector<16xi32>,
    %get3A_494 = vector.shape_cast %get3A_493 : vector<16xi32> to vector<16xi32>
    %add3A_495 = arith.constant 16 : i32
    %add3A_496 = arith.addi %mul3A_2, %add3A_495 : i32
    %add3A_497 = vector.broadcast %add3A_496 : i32 to vector<16xi32>
    %add3A_498 = arith.addi %add3A_497, %iota3A : vector<16xi32>
    %lt3A_499 = arith.constant 3000 : i32
    %lt3A_500 = vector.broadcast %lt3A_499 : i32 to vector<16xi32>
    %lt3A_501 = arith.cmpi slt, %add3A_498, %lt3A_500 : vector<16xi32>
    %mul3A_502 = arith.constant 4 : i32
    %mul3A_503 = vector.broadcast %mul3A_502 : i32 to vector<16xi32>
    %mul3A_504 = arith.muli %get3A_494, %mul3A_503 : vector<16xi32>
    %add3A_505 = arith.constant 3 : i32
    %add3A_506 = vector.broadcast %add3A_505 : i32 to vector<16xi32>
    %add3A_507 = arith.addi %mul3A_504, %add3A_506 : vector<16xi32>
    %mul3A_508 = arith.constant 8 : i32
    %mul3A_509 = arith.muli %mul3A_508, %add3A : i32
    %add3A_510 = arith.constant 80000 : i32
    %add3A_511 = arith.addi %add3A_510, %mul3A_509 : i32
    %broadcast_in_dim3A_512 = vector.broadcast %add3A_511 : i32 to vector<16xi32>
    %select_n3A_513 = arith.select %lt3A_501, %add3A_507, %broadcast_in_dim3A_512 : vector<16xi1>, vector<16xi32>
    %swap3A_514 = arith.constant 304 : index
    %swap3A_515 = tpu.vector_load %arg6[%swap3A_514] {strides = array<i32>} : memref<384xi32, #tpu.memory_space<vmem>>, vector<16xi32>,
    %swap3A_516 = vector.shape_cast %swap3A_515 : vector<16xi32> to vector<16xi32>
    %swap3A_517 = vector.shape_cast %select_n3A_513 : vector<16xi32> to vector<16xi32>
    tpu.vector_store %arg6[%swap3A_514], %swap3A_517 {strides = array<i32>} : memref<384xi32, #tpu.memory_space<vmem>>, vector<16xi32>,
    %get3A_518 = arith.constant 32 : index
    %get3A_519 = tpu.vector_load %arg5[%get3A_518] {strides = array<i32>} : memref<96xi32, #tpu.memory_space<vmem>>, vector<16xi32>,
    %get3A_520 = vector.shape_cast %get3A_519 : vector<16xi32> to vector<16xi32>
    %add3A_521 = arith.constant 32 : i32
    %add3A_522 = arith.addi %mul3A_2, %add3A_521 : i32
    %add3A_523 = vector.broadcast %add3A_522 : i32 to vector<16xi32>
    %add3A_524 = arith.addi %add3A_523, %iota3A : vector<16xi32>
    %lt3A_525 = arith.constant 3000 : i32
    %lt3A_526 = vector.broadcast %lt3A_525 : i32 to vector<16xi32>
    %lt3A_527 = arith.cmpi slt, %add3A_524, %lt3A_526 : vector<16xi32>
    %mul3A_528 = arith.constant 4 : i32
    %mul3A_529 = vector.broadcast %mul3A_528 : i32 to vector<16xi32>
    %mul3A_530 = arith.muli %get3A_520, %mul3A_529 : vector<16xi32>
    %add3A_531 = arith.constant 3 : i32
    %add3A_532 = vector.broadcast %add3A_531 : i32 to vector<16xi32>
    %add3A_533 = arith.addi %mul3A_530, %add3A_532 : vector<16xi32>
    %mul3A_534 = arith.constant 8 : i32
    %mul3A_535 = arith.muli %mul3A_534, %add3A : i32
    %add3A_536 = arith.constant 80000 : i32
    %add3A_537 = arith.addi %add3A_536, %mul3A_535 : i32
    %broadcast_in_dim3A_538 = vector.broadcast %add3A_537 : i32 to vector<16xi32>
    %select_n3A_539 = arith.select %lt3A_527, %add3A_533, %broadcast_in_dim3A_538 : vector<16xi1>, vector<16xi32>
    %swap3A_540 = arith.constant 320 : index
    %swap3A_541 = tpu.vector_load %arg6[%swap3A_540] {strides = array<i32>} : memref<384xi32, #tpu.memory_space<vmem>>, vector<16xi32>,
    %swap3A_542 = vector.shape_cast %swap3A_541 : vector<16xi32> to vector<16xi32>
    %swap3A_543 = vector.shape_cast %select_n3A_539 : vector<16xi32> to vector<16xi32>
    tpu.vector_store %arg6[%swap3A_540], %swap3A_543 {strides = array<i32>} : memref<384xi32, #tpu.memory_space<vmem>>, vector<16xi32>,
    %get3A_544 = arith.constant 48 : index
    %get3A_545 = tpu.vector_load %arg5[%get3A_544] {strides = array<i32>} : memref<96xi32, #tpu.memory_space<vmem>>, vector<16xi32>,
    %get3A_546 = vector.shape_cast %get3A_545 : vector<16xi32> to vector<16xi32>
    %add3A_547 = arith.constant 48 : i32
    %add3A_548 = arith.addi %mul3A_2, %add3A_547 : i32
    %add3A_549 = vector.broadcast %add3A_548 : i32 to vector<16xi32>
    %add3A_550 = arith.addi %add3A_549, %iota3A : vector<16xi32>
    %lt3A_551 = arith.constant 3000 : i32
    %lt3A_552 = vector.broadcast %lt3A_551 : i32 to vector<16xi32>
    %lt3A_553 = arith.cmpi slt, %add3A_550, %lt3A_552 : vector<16xi32>
    %mul3A_554 = arith.constant 4 : i32
    %mul3A_555 = vector.broadcast %mul3A_554 : i32 to vector<16xi32>
    %mul3A_556 = arith.muli %get3A_546, %mul3A_555 : vector<16xi32>
    %add3A_557 = arith.constant 3 : i32
    %add3A_558 = vector.broadcast %add3A_557 : i32 to vector<16xi32>
    %add3A_559 = arith.addi %mul3A_556, %add3A_558 : vector<16xi32>
    %mul3A_560 = arith.constant 8 : i32
    %mul3A_561 = arith.muli %mul3A_560, %add3A : i32
    %add3A_562 = arith.constant 80000 : i32
    %add3A_563 = arith.addi %add3A_562, %mul3A_561 : i32
    %broadcast_in_dim3A_564 = vector.broadcast %add3A_563 : i32 to vector<16xi32>
    %select_n3A_565 = arith.select %lt3A_553, %add3A_559, %broadcast_in_dim3A_564 : vector<16xi1>, vector<16xi32>
    %swap3A_566 = arith.constant 336 : index
    %swap3A_567 = tpu.vector_load %arg6[%swap3A_566] {strides = array<i32>} : memref<384xi32, #tpu.memory_space<vmem>>, vector<16xi32>,
    %swap3A_568 = vector.shape_cast %swap3A_567 : vector<16xi32> to vector<16xi32>
    %swap3A_569 = vector.shape_cast %select_n3A_565 : vector<16xi32> to vector<16xi32>
    tpu.vector_store %arg6[%swap3A_566], %swap3A_569 {strides = array<i32>} : memref<384xi32, #tpu.memory_space<vmem>>, vector<16xi32>,
    %get3A_570 = arith.constant 64 : index
    %get3A_571 = tpu.vector_load %arg5[%get3A_570] {strides = array<i32>} : memref<96xi32, #tpu.memory_space<vmem>>, vector<16xi32>,
    %get3A_572 = vector.shape_cast %get3A_571 : vector<16xi32> to vector<16xi32>
    %add3A_573 = arith.constant 64 : i32
    %add3A_574 = arith.addi %mul3A_2, %add3A_573 : i32
    %add3A_575 = vector.broadcast %add3A_574 : i32 to vector<16xi32>
    %add3A_576 = arith.addi %add3A_575, %iota3A : vector<16xi32>
    %lt3A_577 = arith.constant 3000 : i32
    %lt3A_578 = vector.broadcast %lt3A_577 : i32 to vector<16xi32>
    %lt3A_579 = arith.cmpi slt, %add3A_576, %lt3A_578 : vector<16xi32>
    %mul3A_580 = arith.constant 4 : i32
    %mul3A_581 = vector.broadcast %mul3A_580 : i32 to vector<16xi32>
    %mul3A_582 = arith.muli %get3A_572, %mul3A_581 : vector<16xi32>
    %add3A_583 = arith.constant 3 : i32
    %add3A_584 = vector.broadcast %add3A_583 : i32 to vector<16xi32>
    %add3A_585 = arith.addi %mul3A_582, %add3A_584 : vector<16xi32>
    %mul3A_586 = arith.constant 8 : i32
    %mul3A_587 = arith.muli %mul3A_586, %add3A : i32
    %add3A_588 = arith.constant 80000 : i32
    %add3A_589 = arith.addi %add3A_588, %mul3A_587 : i32
    %broadcast_in_dim3A_590 = vector.broadcast %add3A_589 : i32 to vector<16xi32>
    %select_n3A_591 = arith.select %lt3A_579, %add3A_585, %broadcast_in_dim3A_590 : vector<16xi1>, vector<16xi32>
    %swap3A_592 = arith.constant 352 : index
    %swap3A_593 = tpu.vector_load %arg6[%swap3A_592] {strides = array<i32>} : memref<384xi32, #tpu.memory_space<vmem>>, vector<16xi32>,
    %swap3A_594 = vector.shape_cast %swap3A_593 : vector<16xi32> to vector<16xi32>
    %swap3A_595 = vector.shape_cast %select_n3A_591 : vector<16xi32> to vector<16xi32>
    tpu.vector_store %arg6[%swap3A_592], %swap3A_595 {strides = array<i32>} : memref<384xi32, #tpu.memory_space<vmem>>, vector<16xi32>,
    %get3A_596 = arith.constant 80 : index
    %get3A_597 = tpu.vector_load %arg5[%get3A_596] {strides = array<i32>} : memref<96xi32, #tpu.memory_space<vmem>>, vector<16xi32>,
    %get3A_598 = vector.shape_cast %get3A_597 : vector<16xi32> to vector<16xi32>
    %add3A_599 = arith.constant 80 : i32
    %add3A_600 = arith.addi %mul3A_2, %add3A_599 : i32
    %add3A_601 = vector.broadcast %add3A_600 : i32 to vector<16xi32>
    %add3A_602 = arith.addi %add3A_601, %iota3A : vector<16xi32>
    %lt3A_603 = arith.constant 3000 : i32
    %lt3A_604 = vector.broadcast %lt3A_603 : i32 to vector<16xi32>
    %lt3A_605 = arith.cmpi slt, %add3A_602, %lt3A_604 : vector<16xi32>
    %mul3A_606 = arith.constant 4 : i32
    %mul3A_607 = vector.broadcast %mul3A_606 : i32 to vector<16xi32>
    %mul3A_608 = arith.muli %get3A_598, %mul3A_607 : vector<16xi32>
    %add3A_609 = arith.constant 3 : i32
    %add3A_610 = vector.broadcast %add3A_609 : i32 to vector<16xi32>
    %add3A_611 = arith.addi %mul3A_608, %add3A_610 : vector<16xi32>
    %mul3A_612 = arith.constant 8 : i32
    %mul3A_613 = arith.muli %mul3A_612, %add3A : i32
    %add3A_614 = arith.constant 80000 : i32
    %add3A_615 = arith.addi %add3A_614, %mul3A_613 : i32
    %broadcast_in_dim3A_616 = vector.broadcast %add3A_615 : i32 to vector<16xi32>
    %select_n3A_617 = arith.select %lt3A_605, %add3A_611, %broadcast_in_dim3A_616 : vector<16xi1>, vector<16xi32>
    %swap3A_618 = arith.constant 368 : index
    %swap3A_619 = tpu.vector_load %arg6[%swap3A_618] {strides = array<i32>} : memref<384xi32, #tpu.memory_space<vmem>>, vector<16xi32>,
    %swap3A_620 = vector.shape_cast %swap3A_619 : vector<16xi32> to vector<16xi32>
    %swap3A_621 = vector.shape_cast %select_n3A_617 : vector<16xi32> to vector<16xi32>
    tpu.vector_store %arg6[%swap3A_618], %swap3A_621 {strides = array<i32>} : memref<384xi32, #tpu.memory_space<vmem>>, vector<16xi32>,
    %dma_start3A = arith.constant 0 : i32
    %dma_start3A_622 = tpu.memref_slice %arg2[%dma_start3A] : memref<80256xf32, #tpu.memory_space<hbm>> -> memref<80256xf32, #tpu.memory_space<hbm>>
    tpu.enqueue_indirect_dma source(%dma_start3A_622 : memref<80256xf32, #tpu.memory_space<hbm>>) target(%arg7 : memref<384xf32, #tpu.memory_space<vmem>>) offsets(%arg6 : memref<384xi32, #tpu.memory_space<vmem>>) semaphore(%arg8 : memref<!tpu.dma_semaphore, #tpu.memory_space<semaphore_mem>>)
    %dma_wait3A = arith.constant 0 : i32
    %dma_wait3A_623 = tpu.memref_slice %arg2[%dma_wait3A] : memref<80256xf32, #tpu.memory_space<hbm>> -> memref<80256xf32, #tpu.memory_space<hbm>>
    tpu.wait_indirect_dma semaphore(%arg8 : memref<!tpu.dma_semaphore, #tpu.memory_space<semaphore_mem>>) src(%dma_wait3A_623 : memref<80256xf32, #tpu.memory_space<hbm>>) dst(%arg7 : memref<384xf32, #tpu.memory_space<vmem>>)
    %add3A_624 = arith.constant 0 : i32
    %add3A_625 = arith.addi %add3A_624, %mul3A_2 : i32
    "tpu.region"() ({
      %run_scoped3A = tpu.sem_alloc : memref<!tpu.dma_semaphore, #tpu.memory_space<semaphore_mem>>
      %dma_start3A_632 = arith.constant 0 : i32
      %dma_start3A_633 = tpu.memref_slice %arg7[%dma_start3A_632] : memref<384xf32, #tpu.memory_space<vmem>> -> memref<96xf32, #tpu.memory_space<vmem>>
      %dma_start3A_634 = tpu.memref_slice %arg4[%add3A_625] : memref<12288xf32, #tpu.memory_space<hbm>> -> memref<96xf32, #tpu.memory_space<hbm>>
      %dma_start3A_635 = tpu.memref_slice %arg4[%add3A_625] : memref<12288xf32, #tpu.memory_space<hbm>> -> memref<96xf32, #tpu.memory_space<hbm>>
      %dma_start3A_636 = arith.constant 0 : i32
      %dma_start3A_637 = tpu.memref_slice %arg7[%dma_start3A_636] : memref<384xf32, #tpu.memory_space<vmem>> -> memref<96xf32, #tpu.memory_space<vmem>>
      tpu.enqueue_dma source(%dma_start3A_637 : memref<96xf32, #tpu.memory_space<vmem>>) target(%dma_start3A_635 : memref<96xf32, #tpu.memory_space<hbm>>) target_semaphore(%run_scoped3A : memref<!tpu.dma_semaphore, #tpu.memory_space<semaphore_mem>>)
      %dma_wait3A_638 = arith.constant 0 : i32
      %dma_wait3A_639 = tpu.memref_slice %arg7[%dma_wait3A_638] : memref<384xf32, #tpu.memory_space<vmem>> -> memref<96xf32, #tpu.memory_space<vmem>>
      %dma_wait3A_640 = tpu.memref_slice %arg4[%add3A_625] : memref<12288xf32, #tpu.memory_space<hbm>> -> memref<96xf32, #tpu.memory_space<hbm>>
      %dma_wait3A_641 = tpu.memref_slice %arg4[%add3A_625] : memref<12288xf32, #tpu.memory_space<hbm>> -> memref<96xf32, #tpu.memory_space<hbm>>
      %dma_wait3A_642 = arith.constant 0 : i32
      %dma_wait3A_643 = tpu.memref_slice %arg7[%dma_wait3A_642] : memref<384xf32, #tpu.memory_space<vmem>> -> memref<96xf32, #tpu.memory_space<vmem>>
      tpu.wait_dma2 semaphore(%run_scoped3A : memref<!tpu.dma_semaphore, #tpu.memory_space<semaphore_mem>>) src(%dma_wait3A_643 : memref<96xf32, #tpu.memory_space<vmem>>) dst(%dma_wait3A_641 : memref<96xf32, #tpu.memory_space<hbm>>)
      tpu.yield
    }) : () -> ()
    %add3A_626 = arith.constant 3072 : i32
    %add3A_627 = arith.addi %add3A_626, %mul3A_2 : i32
    "tpu.region"() ({
      %run_scoped3A = tpu.sem_alloc : memref<!tpu.dma_semaphore, #tpu.memory_space<semaphore_mem>>
      %dma_start3A_632 = arith.constant 96 : i32
      %dma_start3A_633 = tpu.memref_slice %arg7[%dma_start3A_632] : memref<384xf32, #tpu.memory_space<vmem>> -> memref<96xf32, #tpu.memory_space<vmem>>
      %dma_start3A_634 = tpu.memref_slice %arg4[%add3A_627] : memref<12288xf32, #tpu.memory_space<hbm>> -> memref<96xf32, #tpu.memory_space<hbm>>
      %dma_start3A_635 = tpu.memref_slice %arg4[%add3A_627] : memref<12288xf32, #tpu.memory_space<hbm>> -> memref<96xf32, #tpu.memory_space<hbm>>
      %dma_start3A_636 = arith.constant 96 : i32
      %dma_start3A_637 = tpu.memref_slice %arg7[%dma_start3A_636] : memref<384xf32, #tpu.memory_space<vmem>> -> memref<96xf32, #tpu.memory_space<vmem>>
      tpu.enqueue_dma source(%dma_start3A_637 : memref<96xf32, #tpu.memory_space<vmem>>) target(%dma_start3A_635 : memref<96xf32, #tpu.memory_space<hbm>>) target_semaphore(%run_scoped3A : memref<!tpu.dma_semaphore, #tpu.memory_space<semaphore_mem>>)
      %dma_wait3A_638 = arith.constant 96 : i32
      %dma_wait3A_639 = tpu.memref_slice %arg7[%dma_wait3A_638] : memref<384xf32, #tpu.memory_space<vmem>> -> memref<96xf32, #tpu.memory_space<vmem>>
      %dma_wait3A_640 = tpu.memref_slice %arg4[%add3A_627] : memref<12288xf32, #tpu.memory_space<hbm>> -> memref<96xf32, #tpu.memory_space<hbm>>
      %dma_wait3A_641 = tpu.memref_slice %arg4[%add3A_627] : memref<12288xf32, #tpu.memory_space<hbm>> -> memref<96xf32, #tpu.memory_space<hbm>>
      %dma_wait3A_642 = arith.constant 96 : i32
      %dma_wait3A_643 = tpu.memref_slice %arg7[%dma_wait3A_642] : memref<384xf32, #tpu.memory_space<vmem>> -> memref<96xf32, #tpu.memory_space<vmem>>
      tpu.wait_dma2 semaphore(%run_scoped3A : memref<!tpu.dma_semaphore, #tpu.memory_space<semaphore_mem>>) src(%dma_wait3A_643 : memref<96xf32, #tpu.memory_space<vmem>>) dst(%dma_wait3A_641 : memref<96xf32, #tpu.memory_space<hbm>>)
      tpu.yield
    }) : () -> ()
    %add3A_628 = arith.constant 6144 : i32
    %add3A_629 = arith.addi %add3A_628, %mul3A_2 : i32
    "tpu.region"() ({
      %run_scoped3A = tpu.sem_alloc : memref<!tpu.dma_semaphore, #tpu.memory_space<semaphore_mem>>
      %dma_start3A_632 = arith.constant 192 : i32
      %dma_start3A_633 = tpu.memref_slice %arg7[%dma_start3A_632] : memref<384xf32, #tpu.memory_space<vmem>> -> memref<96xf32, #tpu.memory_space<vmem>>
      %dma_start3A_634 = tpu.memref_slice %arg4[%add3A_629] : memref<12288xf32, #tpu.memory_space<hbm>> -> memref<96xf32, #tpu.memory_space<hbm>>
      %dma_start3A_635 = tpu.memref_slice %arg4[%add3A_629] : memref<12288xf32, #tpu.memory_space<hbm>> -> memref<96xf32, #tpu.memory_space<hbm>>
      %dma_start3A_636 = arith.constant 192 : i32
      %dma_start3A_637 = tpu.memref_slice %arg7[%dma_start3A_636] : memref<384xf32, #tpu.memory_space<vmem>> -> memref<96xf32, #tpu.memory_space<vmem>>
      tpu.enqueue_dma source(%dma_start3A_637 : memref<96xf32, #tpu.memory_space<vmem>>) target(%dma_start3A_635 : memref<96xf32, #tpu.memory_space<hbm>>) target_semaphore(%run_scoped3A : memref<!tpu.dma_semaphore, #tpu.memory_space<semaphore_mem>>)
      %dma_wait3A_638 = arith.constant 192 : i32
      %dma_wait3A_639 = tpu.memref_slice %arg7[%dma_wait3A_638] : memref<384xf32, #tpu.memory_space<vmem>> -> memref<96xf32, #tpu.memory_space<vmem>>
      %dma_wait3A_640 = tpu.memref_slice %arg4[%add3A_629] : memref<12288xf32, #tpu.memory_space<hbm>> -> memref<96xf32, #tpu.memory_space<hbm>>
      %dma_wait3A_641 = tpu.memref_slice %arg4[%add3A_629] : memref<12288xf32, #tpu.memory_space<hbm>> -> memref<96xf32, #tpu.memory_space<hbm>>
      %dma_wait3A_642 = arith.constant 192 : i32
      %dma_wait3A_643 = tpu.memref_slice %arg7[%dma_wait3A_642] : memref<384xf32, #tpu.memory_space<vmem>> -> memref<96xf32, #tpu.memory_space<vmem>>
      tpu.wait_dma2 semaphore(%run_scoped3A : memref<!tpu.dma_semaphore, #tpu.memory_space<semaphore_mem>>) src(%dma_wait3A_643 : memref<96xf32, #tpu.memory_space<vmem>>) dst(%dma_wait3A_641 : memref<96xf32, #tpu.memory_space<hbm>>)
      tpu.yield
    }) : () -> ()
    %add3A_630 = arith.constant 9216 : i32
    %add3A_631 = arith.addi %add3A_630, %mul3A_2 : i32
    "tpu.region"() ({
      %run_scoped3A = tpu.sem_alloc : memref<!tpu.dma_semaphore, #tpu.memory_space<semaphore_mem>>
      %dma_start3A_632 = arith.constant 288 : i32
      %dma_start3A_633 = tpu.memref_slice %arg7[%dma_start3A_632] : memref<384xf32, #tpu.memory_space<vmem>> -> memref<96xf32, #tpu.memory_space<vmem>>
      %dma_start3A_634 = tpu.memref_slice %arg4[%add3A_631] : memref<12288xf32, #tpu.memory_space<hbm>> -> memref<96xf32, #tpu.memory_space<hbm>>
      %dma_start3A_635 = tpu.memref_slice %arg4[%add3A_631] : memref<12288xf32, #tpu.memory_space<hbm>> -> memref<96xf32, #tpu.memory_space<hbm>>
      %dma_start3A_636 = arith.constant 288 : i32
      %dma_start3A_637 = tpu.memref_slice %arg7[%dma_start3A_636] : memref<384xf32, #tpu.memory_space<vmem>> -> memref<96xf32, #tpu.memory_space<vmem>>
      tpu.enqueue_dma source(%dma_start3A_637 : memref<96xf32, #tpu.memory_space<vmem>>) target(%dma_start3A_635 : memref<96xf32, #tpu.memory_space<hbm>>) target_semaphore(%run_scoped3A : memref<!tpu.dma_semaphore, #tpu.memory_space<semaphore_mem>>)
      %dma_wait3A_638 = arith.constant 288 : i32
      %dma_wait3A_639 = tpu.memref_slice %arg7[%dma_wait3A_638] : memref<384xf32, #tpu.memory_space<vmem>> -> memref<96xf32, #tpu.memory_space<vmem>>
      %dma_wait3A_640 = tpu.memref_slice %arg4[%add3A_631] : memref<12288xf32, #tpu.memory_space<hbm>> -> memref<96xf32, #tpu.memory_space<hbm>>
      %dma_wait3A_641 = tpu.memref_slice %arg4[%add3A_631] : memref<12288xf32, #tpu.memory_space<hbm>> -> memref<96xf32, #tpu.memory_space<hbm>>
      %dma_wait3A_642 = arith.constant 288 : i32
      %dma_wait3A_643 = tpu.memref_slice %arg7[%dma_wait3A_642] : memref<384xf32, #tpu.memory_space<vmem>> -> memref<96xf32, #tpu.memory_space<vmem>>
      tpu.wait_dma2 semaphore(%run_scoped3A : memref<!tpu.dma_semaphore, #tpu.memory_space<semaphore_mem>>) src(%dma_wait3A_643 : memref<96xf32, #tpu.memory_space<vmem>>) dst(%dma_wait3A_641 : memref<96xf32, #tpu.memory_space<hbm>>)
      tpu.yield
    }) : () -> ()
    return
  }
}

module attributes {stable_mosaic.version = 14 : i64} {
  func.func @_nms_body(%arg0: i32, %arg1: memref<4x3072xf32, #tpu.memory_space<vmem>>, %arg2: memref<4x512xf32, #tpu.memory_space<vmem>>, %arg3: memref<1x512xf32, #tpu.memory_space<vmem>>, %arg4: memref<5x512xf32, #tpu.memory_space<vmem>>, %arg5: memref<6x512xf32, #tpu.memory_space<vmem>>) attributes {dimension_semantics = [#tpu.dimension_semantics<arbitrary>], iteration_bounds = array<i64: 6>, scalar_prefetch = 0 : i64, scratch_operands = 1 : i64, tpu.core_type = #tpu.core_type<tc>, window_params = [{pipeline_mode = #tpu.pipeline_mode<synchronous>, transform_indices = @transform_0, window_bounds = array<i64: 4, 3072>}, {transform_indices = @transform_1, window_bounds = array<i64: 4, 512>}, {transform_indices = @transform_2, window_bounds = array<i64: 1, 512>}, {transform_indices = @transform_3, window_bounds = array<i64: 5, 512>}]} {
    %eq3A = arith.constant 0 : i32
    %eq3A_0 = arith.cmpi eq, %arg0, %eq3A : i32
    %convert_element_type3A = arith.extui %eq3A_0 : i1 to i32
    %cond3A = arith.constant 0 : i32
    %cond3A_1 = arith.cmpi ne, %convert_element_type3A, %cond3A : i32
    scf.if %cond3A_1 {
      %broadcast_in_dim3A_131 = arith.constant 1.000000e+00 : f32
      %broadcast_in_dim3A_132 = vector.broadcast %broadcast_in_dim3A_131 : f32 to vector<6x512xf32>
      %swap3A_133 = arith.constant 0 : index
      %swap3A_134 = arith.constant 0 : index
      %swap3A_135 = vector.load %arg5[%swap3A_133, %swap3A_134] : memref<6x512xf32, #tpu.memory_space<vmem>>, vector<6x512xf32>
      tpu.vector_store %arg5[%swap3A_133, %swap3A_134], %broadcast_in_dim3A_132 {strides = array<i32>} : memref<6x512xf32, #tpu.memory_space<vmem>>, vector<6x512xf32>,
    } else {
    }
    %get3A = arith.constant 0 : index
    %get3A_2 = arith.constant 0 : index
    %get3A_3 = vector.load %arg2[%get3A, %get3A_2] : memref<4x512xf32, #tpu.memory_space<vmem>>, vector<4x512xf32>
    %slice3A = vector.extract_strided_slice %get3A_3 {offsets = [0, 0], sizes = [1, 512], strides = [1, 1]} : vector<4x512xf32> to vector<1x512xf32>
    %slice3A_4 = vector.extract_strided_slice %get3A_3 {offsets = [1, 0], sizes = [1, 512], strides = [1, 1]} : vector<4x512xf32> to vector<1x512xf32>
    %slice3A_5 = vector.extract_strided_slice %get3A_3 {offsets = [2, 0], sizes = [1, 512], strides = [1, 1]} : vector<4x512xf32> to vector<1x512xf32>
    %slice3A_6 = vector.extract_strided_slice %get3A_3 {offsets = [3, 0], sizes = [1, 512], strides = [1, 1]} : vector<4x512xf32> to vector<1x512xf32>
    %sub3A = arith.subf %slice3A_5, %slice3A : vector<1x512xf32>
    %sub3A_7 = arith.subf %slice3A_6, %slice3A_4 : vector<1x512xf32>
    %mul3A = arith.mulf %sub3A, %sub3A_7 : vector<1x512xf32>
    %transpose3A = tpu.transpose %slice3A, [1, 0] : vector<1x512xf32> -> vector<512x1xf32>
    %transpose3A_8 = tpu.transpose %slice3A_4, [1, 0] : vector<1x512xf32> -> vector<512x1xf32>
    %transpose3A_9 = tpu.transpose %slice3A_5, [1, 0] : vector<1x512xf32> -> vector<512x1xf32>
    %transpose3A_10 = tpu.transpose %slice3A_6, [1, 0] : vector<1x512xf32> -> vector<512x1xf32>
    %sub3A_11 = arith.subf %transpose3A_9, %transpose3A : vector<512x1xf32>
    %sub3A_12 = arith.subf %transpose3A_10, %transpose3A_8 : vector<512x1xf32>
    %mul3A_13 = arith.mulf %sub3A_11, %sub3A_12 : vector<512x1xf32>
    %max3A = vector.broadcast %transpose3A : vector<512x1xf32> to vector<512x512xf32>
    %max3A_14 = vector.broadcast %slice3A : vector<1x512xf32> to vector<512x512xf32>
    %max3A_15 = arith.maximumf %max3A, %max3A_14 : vector<512x512xf32>
    %max3A_16 = vector.broadcast %transpose3A_8 : vector<512x1xf32> to vector<512x512xf32>
    %max3A_17 = vector.broadcast %slice3A_4 : vector<1x512xf32> to vector<512x512xf32>
    %max3A_18 = arith.maximumf %max3A_16, %max3A_17 : vector<512x512xf32>
    %min3A = vector.broadcast %transpose3A_9 : vector<512x1xf32> to vector<512x512xf32>
    %min3A_19 = vector.broadcast %slice3A_5 : vector<1x512xf32> to vector<512x512xf32>
    %min3A_20 = arith.minimumf %min3A, %min3A_19 : vector<512x512xf32>
    %min3A_21 = vector.broadcast %transpose3A_10 : vector<512x1xf32> to vector<512x512xf32>
    %min3A_22 = vector.broadcast %slice3A_6 : vector<1x512xf32> to vector<512x512xf32>
    %min3A_23 = arith.minimumf %min3A_21, %min3A_22 : vector<512x512xf32>
    %sub3A_24 = arith.subf %min3A_20, %max3A_15 : vector<512x512xf32>
    %max3A_25 = arith.constant 0.000000e+00 : f32
    %max3A_26 = vector.broadcast %max3A_25 : f32 to vector<512x512xf32>
    %max3A_27 = arith.maximumf %sub3A_24, %max3A_26 : vector<512x512xf32>
    %sub3A_28 = arith.subf %min3A_23, %max3A_18 : vector<512x512xf32>
    %max3A_29 = arith.constant 0.000000e+00 : f32
    %max3A_30 = vector.broadcast %max3A_29 : f32 to vector<512x512xf32>
    %max3A_31 = arith.maximumf %sub3A_28, %max3A_30 : vector<512x512xf32>
    %mul3A_32 = arith.mulf %max3A_27, %max3A_31 : vector<512x512xf32>
    %add3A = vector.broadcast %mul3A_13 : vector<512x1xf32> to vector<512x512xf32>
    %add3A_33 = vector.broadcast %mul3A : vector<1x512xf32> to vector<512x512xf32>
    %add3A_34 = arith.addf %add3A, %add3A_33 : vector<512x512xf32>
    %sub3A_35 = arith.subf %add3A_34, %mul3A_32 : vector<512x512xf32>
    %add3A_36 = arith.constant 9.99999971E-10 : f32
    %add3A_37 = vector.broadcast %add3A_36 : f32 to vector<512x512xf32>
    %add3A_38 = arith.addf %sub3A_35, %add3A_37 : vector<512x512xf32>
    %div3A = arith.divf %mul3A_32, %add3A_38 : vector<512x512xf32>
    %iota3A = tpu.iota {dimensions = array<i32: 0>} : vector<512x512xi32>
    %iota3A_39 = tpu.iota {dimensions = array<i32: 1>} : vector<512x512xi32>
    %gt3A = arith.constant 6.000000e-01 : f32
    %gt3A_40 = vector.broadcast %gt3A : f32 to vector<512x512xf32>
    %gt3A_41 = arith.cmpf ogt, %div3A, %gt3A_40 : vector<512x512xf32>
    %lt3A = arith.cmpi slt, %iota3A, %iota3A_39 : vector<512x512xi32>
    %and3A = arith.andi %gt3A_41, %lt3A : vector<512x512xi1>
    %convert_element_type3A_42 = arith.extui %and3A : vector<512x512xi1> to vector<512x512xi32>
    %convert_element_type3A_43 = arith.sitofp %convert_element_type3A_42 : vector<512x512xi32> to vector<512x512xf32>
    %convert_element_type3A_44 = arith.truncf %convert_element_type3A_43 : vector<512x512xf32> to vector<512x512xbf16>
    %get3A_45 = arith.index_cast %arg0 : i32 to index
    %get3A_46 = arith.constant 0 : index
    %get3A_47 = vector.load %arg5[%get3A_45, %get3A_46] : memref<6x512xf32, #tpu.memory_space<vmem>>, vector<1x512xf32>
    %convert_element_type3A_48 = arith.truncf %get3A_47 : vector<1x512xf32> to vector<1x512xbf16>
    %dot_general3A = arith.constant dense<0.000000e+00> : vector<1x512xf32>
    %dot_general3A_49 = tpu.matmul %convert_element_type3A_48, %convert_element_type3A_44, %dot_general3A {dimension_numbers = #tpu.dot_dimension_numbers<[1], [0], [0], [1], [0, 0, 1, 1], [], []>, transpose_lhs_hint = false} : vector<1x512xbf16>, vector<512x512xbf16>, vector<1x512xf32> -> vector<1x512xf32>
    %gt3A_50 = arith.constant 0.000000e+00 : f32
    %gt3A_51 = vector.broadcast %gt3A_50 : f32 to vector<1x512xf32>
    %gt3A_52 = arith.cmpf ogt, %dot_general3A_49, %gt3A_51 : vector<1x512xf32>
    %jit3A = arith.constant 0.000000e+00 : f32
    %broadcast_in_dim3A = vector.broadcast %jit3A : f32 to vector<1x512xf32>
    %select_n3A = arith.select %gt3A_52, %broadcast_in_dim3A, %get3A_47 : vector<1x512xi1>, vector<1x512xf32>
    %while3A:2 = scf.while (%while3A_131 = %get3A_47, %while3A_132 = %select_n3A) : (vector<1x512xf32>, vector<1x512xf32>) -> (vector<1x512xf32>, vector<1x512xf32>) {
      %ne3A = arith.cmpf one, %while3A_131, %while3A_132 : vector<1x512xf32>
      %reduce_or3A = arith.constant 1.000000e+00 : f32
      %reduce_or3A_133 = arith.constant 0.000000e+00 : f32
      %reduce_or3A_134 = vector.broadcast %reduce_or3A : f32 to vector<1x512xf32>
      %reduce_or3A_135 = vector.broadcast %reduce_or3A_133 : f32 to vector<1x512xf32>
      %reduce_or3A_136 = arith.select %ne3A, %reduce_or3A_134, %reduce_or3A_135 : vector<1x512xi1>, vector<1x512xf32>
      %reduce_or3A_137 = vector.shape_cast %reduce_or3A_136 : vector<1x512xf32> to vector<1x1x512xf32>
      %reduce_or3A_138 = arith.constant dense<0xFF800000> : vector<1xf32>
      %reduce_or3A_139 = vector.multi_reduction <maximumf>, %reduce_or3A_137, %reduce_or3A_138 [1, 2] : vector<1x1x512xf32> to vector<1xf32>
      %reduce_or3A_140 = vector.shape_cast %reduce_or3A_139 : vector<1xf32> to vector<1x1x1xf32>
      %reduce_or3A_141 = vector.extract %reduce_or3A_140[0, 0, 0] : f32 from vector<1x1x1xf32>
      %reduce_or3A_142 = arith.constant 0.000000e+00 : f32
      %reduce_or3A_143 = arith.cmpf ogt, %reduce_or3A_141, %reduce_or3A_142 : f32
      scf.condition(%reduce_or3A_143) %while3A_131, %while3A_132 : vector<1x512xf32>, vector<1x512xf32>
    } do {
    ^bb0(%while3A_131: vector<1x512xf32>, %while3A_132: vector<1x512xf32>):
      %convert_element_type3A_133 = arith.truncf %while3A_132 : vector<1x512xf32> to vector<1x512xbf16>
      %dot_general3A_134 = arith.constant dense<0.000000e+00> : vector<1x512xf32>
      %dot_general3A_135 = tpu.matmul %convert_element_type3A_133, %convert_element_type3A_44, %dot_general3A_134 {dimension_numbers = #tpu.dot_dimension_numbers<[1], [0], [0], [1], [0, 0, 1, 1], [], []>, transpose_lhs_hint = false} : vector<1x512xbf16>, vector<512x512xbf16>, vector<1x512xf32> -> vector<1x512xf32>
      %gt3A_136 = arith.constant 0.000000e+00 : f32
      %gt3A_137 = vector.broadcast %gt3A_136 : f32 to vector<1x512xf32>
      %gt3A_138 = arith.cmpf ogt, %dot_general3A_135, %gt3A_137 : vector<1x512xf32>
      %jit3A_139 = arith.constant 0.000000e+00 : f32
      %broadcast_in_dim3A_140 = vector.broadcast %jit3A_139 : f32 to vector<1x512xf32>
      %select_n3A_141 = arith.select %gt3A_138, %broadcast_in_dim3A_140, %get3A_47 : vector<1x512xi1>, vector<1x512xf32>
      scf.yield %while3A_132, %select_n3A_141 : vector<1x512xf32>, vector<1x512xf32>
    }
    %swap3A = arith.index_cast %arg0 : i32 to index
    %swap3A_53 = arith.constant 0 : index
    %swap3A_54 = vector.load %arg5[%swap3A, %swap3A_53] : memref<6x512xf32, #tpu.memory_space<vmem>>, vector<1x512xf32>
    tpu.vector_store %arg5[%swap3A, %swap3A_53], %while3A#1 {strides = array<i32>} : memref<6x512xf32, #tpu.memory_space<vmem>>, vector<1x512xf32>,
    %get3A_55 = arith.constant 0 : index
    %get3A_56 = arith.constant 0 : index
    %get3A_57 = vector.load %arg1[%get3A_55, %get3A_56] : memref<4x3072xf32, #tpu.memory_space<vmem>>, vector<4x3072xf32>
    %slice3A_58 = vector.extract_strided_slice %get3A_57 {offsets = [0, 0], sizes = [1, 3072], strides = [1, 1]} : vector<4x3072xf32> to vector<1x3072xf32>
    %slice3A_59 = vector.extract_strided_slice %get3A_57 {offsets = [1, 0], sizes = [1, 3072], strides = [1, 1]} : vector<4x3072xf32> to vector<1x3072xf32>
    %slice3A_60 = vector.extract_strided_slice %get3A_57 {offsets = [2, 0], sizes = [1, 3072], strides = [1, 1]} : vector<4x3072xf32> to vector<1x3072xf32>
    %slice3A_61 = vector.extract_strided_slice %get3A_57 {offsets = [3, 0], sizes = [1, 3072], strides = [1, 1]} : vector<4x3072xf32> to vector<1x3072xf32>
    %sub3A_62 = arith.subf %slice3A_60, %slice3A_58 : vector<1x3072xf32>
    %sub3A_63 = arith.subf %slice3A_61, %slice3A_59 : vector<1x3072xf32>
    %mul3A_64 = arith.mulf %sub3A_62, %sub3A_63 : vector<1x3072xf32>
    %max3A_65 = vector.broadcast %transpose3A : vector<512x1xf32> to vector<512x3072xf32>
    %max3A_66 = vector.broadcast %slice3A_58 : vector<1x3072xf32> to vector<512x3072xf32>
    %max3A_67 = arith.maximumf %max3A_65, %max3A_66 : vector<512x3072xf32>
    %max3A_68 = vector.broadcast %transpose3A_8 : vector<512x1xf32> to vector<512x3072xf32>
    %max3A_69 = vector.broadcast %slice3A_59 : vector<1x3072xf32> to vector<512x3072xf32>
    %max3A_70 = arith.maximumf %max3A_68, %max3A_69 : vector<512x3072xf32>
    %min3A_71 = vector.broadcast %transpose3A_9 : vector<512x1xf32> to vector<512x3072xf32>
    %min3A_72 = vector.broadcast %slice3A_60 : vector<1x3072xf32> to vector<512x3072xf32>
    %min3A_73 = arith.minimumf %min3A_71, %min3A_72 : vector<512x3072xf32>
    %min3A_74 = vector.broadcast %transpose3A_10 : vector<512x1xf32> to vector<512x3072xf32>
    %min3A_75 = vector.broadcast %slice3A_61 : vector<1x3072xf32> to vector<512x3072xf32>
    %min3A_76 = arith.minimumf %min3A_74, %min3A_75 : vector<512x3072xf32>
    %sub3A_77 = arith.subf %min3A_73, %max3A_67 : vector<512x3072xf32>
    %max3A_78 = arith.constant 0.000000e+00 : f32
    %max3A_79 = vector.broadcast %max3A_78 : f32 to vector<512x3072xf32>
    %max3A_80 = arith.maximumf %sub3A_77, %max3A_79 : vector<512x3072xf32>
    %sub3A_81 = arith.subf %min3A_76, %max3A_70 : vector<512x3072xf32>
    %max3A_82 = arith.constant 0.000000e+00 : f32
    %max3A_83 = vector.broadcast %max3A_82 : f32 to vector<512x3072xf32>
    %max3A_84 = arith.maximumf %sub3A_81, %max3A_83 : vector<512x3072xf32>
    %mul3A_85 = arith.mulf %max3A_80, %max3A_84 : vector<512x3072xf32>
    %add3A_86 = vector.broadcast %mul3A_13 : vector<512x1xf32> to vector<512x3072xf32>
    %add3A_87 = vector.broadcast %mul3A_64 : vector<1x3072xf32> to vector<512x3072xf32>
    %add3A_88 = arith.addf %add3A_86, %add3A_87 : vector<512x3072xf32>
    %sub3A_89 = arith.subf %add3A_88, %mul3A_85 : vector<512x3072xf32>
    %add3A_90 = arith.constant 9.99999971E-10 : f32
    %add3A_91 = vector.broadcast %add3A_90 : f32 to vector<512x3072xf32>
    %add3A_92 = arith.addf %sub3A_89, %add3A_91 : vector<512x3072xf32>
    %div3A_93 = arith.divf %mul3A_85, %add3A_92 : vector<512x3072xf32>
    %gt3A_94 = arith.constant 6.000000e-01 : f32
    %gt3A_95 = vector.broadcast %gt3A_94 : f32 to vector<512x3072xf32>
    %gt3A_96 = arith.cmpf ogt, %div3A_93, %gt3A_95 : vector<512x3072xf32>
    %convert_element_type3A_97 = arith.extui %gt3A_96 : vector<512x3072xi1> to vector<512x3072xi32>
    %convert_element_type3A_98 = arith.sitofp %convert_element_type3A_97 : vector<512x3072xi32> to vector<512x3072xf32>
    %convert_element_type3A_99 = arith.truncf %convert_element_type3A_98 : vector<512x3072xf32> to vector<512x3072xbf16>
    %convert_element_type3A_100 = arith.truncf %while3A#1 : vector<1x512xf32> to vector<1x512xbf16>
    %dot_general3A_101 = arith.constant dense<0.000000e+00> : vector<1x3072xf32>
    %dot_general3A_102 = tpu.matmul %convert_element_type3A_100, %convert_element_type3A_99, %dot_general3A_101 {dimension_numbers = #tpu.dot_dimension_numbers<[1], [0], [0], [1], [0, 0, 1, 1], [], []>, transpose_lhs_hint = false} : vector<1x512xbf16>, vector<512x3072xbf16>, vector<1x3072xf32> -> vector<1x3072xf32>
    %reshape3A = vector.shape_cast %dot_general3A_102 : vector<1x3072xf32> to vector<6x512xf32>
    %gt3A_103 = arith.constant 0.000000e+00 : f32
    %gt3A_104 = vector.broadcast %gt3A_103 : f32 to vector<6x512xf32>
    %gt3A_105 = arith.cmpf ogt, %reshape3A, %gt3A_104 : vector<6x512xf32>
    %iota3A_106 = tpu.iota {dimensions = array<i32: 0>} : vector<6x512xi32>
    %gt3A_107 = vector.broadcast %arg0 : i32 to vector<6x512xi32>
    %gt3A_108 = arith.cmpi sgt, %iota3A_106, %gt3A_107 : vector<6x512xi32>
    %and3A_109 = arith.andi %gt3A_108, %gt3A_105 : vector<6x512xi1>
    %get3A_110 = arith.constant 0 : index
    %get3A_111 = arith.constant 0 : index
    %get3A_112 = vector.load %arg5[%get3A_110, %get3A_111] : memref<6x512xf32, #tpu.memory_space<vmem>>, vector<6x512xf32>
    %jit3A_113 = arith.constant 0.000000e+00 : f32
    %broadcast_in_dim3A_114 = vector.broadcast %jit3A_113 : f32 to vector<6x512xf32>
    %select_n3A_115 = arith.select %and3A_109, %broadcast_in_dim3A_114, %get3A_112 : vector<6x512xi1>, vector<6x512xf32>
    %swap3A_116 = arith.constant 0 : index
    %swap3A_117 = arith.constant 0 : index
    %swap3A_118 = vector.load %arg5[%swap3A_116, %swap3A_117] : memref<6x512xf32, #tpu.memory_space<vmem>>, vector<6x512xf32>
    tpu.vector_store %arg5[%swap3A_116, %swap3A_117], %select_n3A_115 {strides = array<i32>} : memref<6x512xf32, #tpu.memory_space<vmem>>, vector<6x512xf32>,
    %mul3A_119 = vector.broadcast %while3A#1 : vector<1x512xf32> to vector<4x512xf32>
    %mul3A_120 = arith.mulf %get3A_3, %mul3A_119 : vector<4x512xf32>
    %swap3A_121 = arith.constant 0 : index
    %swap3A_122 = arith.constant 0 : index
    %swap3A_123 = vector.load %arg4[%swap3A_121, %swap3A_122] : memref<5x512xf32, #tpu.memory_space<vmem>>, vector<4x512xf32>
    tpu.vector_store %arg4[%swap3A_121, %swap3A_122], %mul3A_120 {strides = array<i32>} : memref<5x512xf32, #tpu.memory_space<vmem>>, vector<4x512xf32>,
    %get3A_124 = arith.constant 0 : index
    %get3A_125 = arith.constant 0 : index
    %get3A_126 = vector.load %arg3[%get3A_124, %get3A_125] : memref<1x512xf32, #tpu.memory_space<vmem>>, vector<1x512xf32>
    %mul3A_127 = arith.mulf %get3A_126, %while3A#1 : vector<1x512xf32>
    %swap3A_128 = arith.constant 4 : index
    %swap3A_129 = arith.constant 0 : index
    %swap3A_130 = vector.load %arg4[%swap3A_128, %swap3A_129] : memref<5x512xf32, #tpu.memory_space<vmem>>, vector<1x512xf32>
    tpu.vector_store %arg4[%swap3A_128, %swap3A_129], %mul3A_127 {strides = array<i32>} : memref<5x512xf32, #tpu.memory_space<vmem>>, vector<1x512xf32>,
    return
  }
  func.func @transform_0(%arg0: i32) -> (i32, i32) {
    %c0_i32 = arith.constant 0 : i32
    %c0_i32_0 = arith.constant 0 : i32
    %c0_i32_1 = arith.constant 0 : i32
    return %c0_i32, %c0_i32_0 : i32, i32
  }
  func.func @transform_1(%arg0: i32) -> (i32, i32) {
    %c0_i32 = arith.constant 0 : i32
    %c0_i32_0 = arith.constant 0 : i32
    return %c0_i32, %arg0 : i32, i32
  }
  func.func @transform_2(%arg0: i32) -> (i32, i32) {
    %c0_i32 = arith.constant 0 : i32
    %c0_i32_0 = arith.constant 0 : i32
    return %c0_i32, %arg0 : i32, i32
  }
  func.func @transform_3(%arg0: i32) -> (i32, i32) {
    %c0_i32 = arith.constant 0 : i32
    %c0_i32_0 = arith.constant 0 : i32
    return %c0_i32, %arg0 : i32, i32
  }
}

</mosaic_0001>

<sc_bundles>
// kernel: kernel.4.cloned.1.call-start
scs
__scs_entry_jumppad:
0x0: {  	(pc) =	sbr.rel $0x88, $3  }
0x1: {  	(tag) =	ssettag $0x0;
	lr =	simm.s32 $0x1  }
0x2: {  	[smem:$0x3F9F] =	sst lr;
	_ =	strace $0xD0000000  }
0x3: {  	_ = 	snop  }
0x4: {  	_ = 	snop  }
0x5: {  	_ = 	snop  }
0x6: {  	_ = 	snop  }
0x7: {  	_ = 	snop  }
__scs_overlays_trampoline_lowered:
0x8: {  	[smem:$0x3FAE] =	sst s0  }
0x9: {  	[smem:$0x3FAF] =	sst s1  }
0xa: {  	[smem:$0x3FB0] =	sst s2  }
0xb: {  	[smem:$0x3FB1] =	sst s3  }
0xc: {  	[smem:$0x3FB2] =	sst s4  }
0xd: {  	[smem:$0x3FB3] =	sst s5  }
0xe: {  	[smem:$0x3FB4] =	sst s6  }
0xf: {  	[smem:$0x3FB5] =	sst s7  }
0x10: {  	[smem:$0x3FB6] =	sst s8  }
0x11: {  	[smem:$0x3FB7] =	sst s9;
	s0 =	simm.s32 @!p0 $0x0  }
0x12: {  	s1 =	sld [smem:$0x3F9D];
	s0 =	simm.s32 @p0 $0x1  }
0x13: {  	[smem:$0x3FB8] =	sst s0;
	s0 =	simm.s32 @!p1 $0x0  }
0x14: {  	s2 =	sld [smem:$0x3F9C];
	s0 =	simm.s32 @p1 $0x1  }
0x15: {  	[smem:$0x3FB9] =	sst s0;
	s0 =	simm.s32 @!p2 $0x0  }
0x16: {  	s3 =	sld [smem:$0x3FDB];
	s0 =	simm.s32 @p2 $0x1  }
0x17: {  	s4 =	simm.s32 $0x1BF5;
	[smem:$0x3FBB] =	sst s0  }
0x18: {  	s0 =	sld [smem:$0x3F9E];
	_ =	swait.ge [sflag:s4], $0x0  }
0x19: {  	s7 =	sld [smem:$0x3F9F]  }
0x1a: {  	s8 =	sadd.s32 $0xFFFFE003, lr  }
0x1b: {  	s9 =	sadd.s32 $0xFFFFFEF7, lr;
	s5 =	simm.s32 $0xFFFFFFFF;
	p2 =	slt.u32 s8, $0xFFFFF086  }
0x1c: {  	p1 =	slt.u32 s9, $0xF7A;
	s5 =	simm.s32 @!p2 $0x0  }
0x1d: {  	s5 =	simm.s32 @p1 $0x1;
	p0 =	seq.s32 s7, s2  }
0x1e: {  	s7 =	smul.u32 @!p0 $0xF7A, s2;
	p2 =	seq.s32 @!p0 s5, $0x0  }
0x1f: {  	s9 =	smul.u32 $0xF7A, s1;
	s8 =	simm.s32 @!p0 $0x1BF5;
	p2 =	por !p2, p0  }
0x20: {  	[sflag:s8] =	ssyncset.s32 @!p0 $0xFFFFF086;
	s6 =	sadd.s32 @!p0 s3, s7;
	s7 =	simm.s32 @!p0 $0x108  }
0x21: {  	s3 =	sadd.s32 s3, s9;
	s6 =	sadd.s32 @!p0 $0x88, s6;
	s7 =	simm.s32 @p2 $0x1082  }
0x22: {  	[simem:s7], [sflag:s8] =	dma.local @!p0 [hbm:s6], $0xF7A  }
0x23: {  	s9 =	sor.u32 $0xD0000000, s2;
	s6 =	simm.s32 $0x108;
	_ =	swait.ge @!p0 [sflag:s8], $0x0  }
0x24: {  	s3 =	sadd.s32 $0x88, s3;
	s6 =	simm.s32 @!p1 $0x1082;
	[sflag:s4] =	ssyncset.s32 $0xFFFFF086  }
0x25: {  	[simem:s6], [sflag:s4] =	dma.local [hbm:s3], $0xF7A  }
0x26: {  	[smem:$0x3F9F] =	sst s1;
	(tag) =	ssettag s2;
	_ =	strace s9  }
0x27: {  	s1 =	sld [smem:$0x3FAF]  }
0x28: {  	s2 =	sld [smem:$0x3FB0]  }
0x29: {  	s4 =	sld [smem:$0x3FB2]  }
0x2a: {  	p0 =	seq.s32 s5, $0x0;
	s5 =	sld [smem:$0x3FB3]  }
0x2b: {  	s6 =	sld [smem:$0x3FB4]  }
0x2c: {  	s7 =	sld [smem:$0x3FB5]  }
0x2d: {  	s3 =	simm.s32 $0x108;
	s8 =	sld [smem:$0x3FB6]  }
0x2e: {  	s3 =	simm.s32 @!p0 $0x1082;
	s9 =	sld [smem:$0x3FB7]  }
0x2f: {  	lr =	sadd.s32 s0, s3;
	s0 =	sld [smem:$0x3FAE]  }
0x30: {  	s3 =	sld [smem:$0x3FB1]  }
0x31: {  	[smem:$0x3FBA] =	sst s10  }
0x32: {  	s10 =	sld [smem:$0x3FB8];
	_ =	sdelay $0x3  }
0x33: {  	p0 =	seq.s32 s10, $0x1;
	s10 =	sld [smem:$0x3FBA];
	_ =	sdelay $0x3  }
0x34: {  	[smem:$0x3FBA] =	sst s10  }
0x35: {  	s10 =	sld [smem:$0x3FB9];
	_ =	sdelay $0x3  }
0x36: {  	p1 =	seq.s32 s10, $0x1;
	s10 =	sld [smem:$0x3FBA];
	_ =	sdelay $0x3  }
0x37: {  	[smem:$0x3FBA] =	sst s10  }
0x38: {  	s10 =	sld [smem:$0x3FBB]  }
0x39: {  	_ = 	snop;
	(pc) =	sbr.ind lr, $3  }
0x3a: {  	_ = 	snop  }
0x3b: {  	_ = 	snop  }
0x3c: {  	p2 =	seq.s32 s10, $0x1;
	s10 =	sld [smem:$0x3FBA]  }
0x3d: {  	_ =	shalt  }
0x3e: {  	_ =	shalt  }
0x3f: {  	_ =	shalt  }
0x40: {  	_ =	shalt  }
0x41: {  	_ =	shalt  }
0x42: {  	_ =	shalt  }
0x43: {  	_ =	shalt  }
0x44: {  	_ =	shalt  }
0x45: {  	_ =	shalt  }
0x46: {  	_ =	shalt  }
0x47: {  	_ =	shalt  }
0x48: {  	_ =	shalt  }
0x49: {  	_ =	shalt  }
0x4a: {  	_ =	shalt  }
0x4b: {  	_ =	shalt  }
0x4c: {  	_ =	shalt  }
0x4d: {  	_ =	shalt  }
0x4e: {  	_ =	shalt  }
0x4f: {  	_ =	shalt  }
0x50: {  	_ =	shalt  }
0x51: {  	_ =	shalt  }
0x52: {  	_ =	shalt  }
0x53: {  	_ =	shalt  }
0x54: {  	_ =	shalt  }
0x55: {  	_ =	shalt  }
0x56: {  	_ =	shalt  }
0x57: {  	_ =	shalt  }
0x58: {  	_ =	shalt  }
0x59: {  	_ =	shalt  }
0x5a: {  	_ =	shalt  }
0x5b: {  	_ =	shalt  }
0x5c: {  	_ =	shalt  }
0x5d: {  	_ =	shalt  }
0x5e: {  	_ =	shalt  }
0x5f: {  	_ =	shalt  }
0x60: {  	_ =	shalt  }
0x61: {  	_ =	shalt  }
0x62: {  	_ =	shalt  }
0x63: {  	_ =	shalt  }
0x64: {  	_ =	shalt  }
0x65: {  	_ =	shalt  }
0x66: {  	_ =	shalt  }
0x67: {  	_ =	shalt  }
0x68: {  	_ =	shalt  }
0x69: {  	_ =	shalt  }
0x6a: {  	_ =	shalt  }
0x6b: {  	_ =	shalt  }
0x6c: {  	_ =	shalt  }
0x6d: {  	_ =	shalt  }
0x6e: {  	_ =	shalt  }
0x6f: {  	_ =	shalt  }
0x70: {  	_ =	shalt  }
0x71: {  	_ =	shalt  }
0x72: {  	_ =	shalt  }
0x73: {  	_ =	shalt  }
0x74: {  	_ =	shalt  }
0x75: {  	_ =	shalt  }
0x76: {  	_ =	shalt  }
0x77: {  	_ =	shalt  }
0x78: {  	_ =	shalt  }
0x79: {  	_ =	shalt  }
0x7a: {  	_ =	shalt  }
0x7b: {  	_ =	shalt  }
0x7c: {  	_ =	shalt  }
0x7d: {  	_ =	shalt  }
0x7e: {  	_ =	shalt  }
0x7f: {  	_ =	shalt  }
0x80: {  	_ =	shalt  }
0x81: {  	_ =	shalt  }
0x82: {  	_ =	shalt  }
0x83: {  	_ =	shalt  }
0x84: {  	_ =	shalt  }
0x85: {  	_ =	shalt  }
0x86: {  	_ =	shalt  }
0x87: {  	_ =	shalt  }
.Lfunc_end0:
.L_simem_size_0:
called_computation_lowered:
.L_overlay_start_0:
0x88: {  	s2 =	sld [smem:$0x3FD9]  }
0x89: {  	s3 =	sld [smem:$0x3FFE];
	_ =	sdelay $0x1  }
0x8a: {  	s1 =	srdreg.scid  }
0x8b: {  	s0 =	sand.u32 $0x1, s1  }
0x8c: {  	s17 =	sshll.u32 s0, $0xA;
	s2 =	sadd.s32 s3, s2  }
0x8d: {  	s2 =	sadd.s32 s2, s17  }
0x8e: {  	[smem:$0x3FC6] =	sst s2  }
0x8f: {  	_ = 	snop  }
0x90: {  	s2 =	sld [smem:$0x3FD0];
	(tm) =	ssettm $0x1  }
0x91: {  	s18 =	sld [smem:$0x3FFB];
	_ =	sdelay $0x3  }
0x92: {  	_ =	strace s18  }
0x93: {  	s3 =	sld [smem:$0x3FFC];
	_ =	sdelay $0x3  }
0x94: {  	_ =	strace s3  }
0x95: {  	s3 =	sld [smem:$0x3FFD];
	_ =	sdelay $0x3  }
0x96: {  	_ =	strace s3  }
0x97: {  	_ =	strace $0x8FFFFFFF  }
0x98: {  	s19 =	sld [smem:$0x3FDB];
	_ =	sdelay $0x1  }
0x99: {  	s4 =	simm.s32 $_scs_section_size  }
0x9a: {  	s5 =	simm.s32 $_size__tile_overlayer_lowered;
	s6 =	simm.s32 $_tile_overlayer_lowered  }
0x9b: {  	s22 =	simm.s32 $0x1BFF;
	s21 =	sshll.u32 s6, $0x1;
	s3 =	sadd.s32 s4, s19  }
0x9c: {  	s7 =	simm.s32 $0x0;
	s20 =	sshll.u32 s5, $0x1;
	s5 =	sadd.s32 s21, s3  }
0x9d: {  	[timem:s7], [sflag:s22] =	dma.local [hbm:s5], s20  }
0x9e: {  	_ =	swait.ge [sflag:s22], s20  }
0x9f: {  	s4 =	ssub.s32 $0x0, s20;
	[sflag:s22] =	ssyncset.done $0x0  }
0xa0: {  	[sflag:s22] =	ssyncadd.s32 s4;
	_ =	sdelay $0x1  }
0xa1: {  	s23 =	simm.s32 $0x1B8B  }
0xa2: {  	_ =	swait.ge [sflag:s23], $0x1  }
0xa3: {  	[sflag:s23] =	ssyncset.done $0x0  }
0xa4: {  	s25 =	simm.s32 $0x1B8E;
	s24 =	sld [smem:$0x3FFE];
	[sflag:s23] =	ssyncadd.s32 $0xFFFFFFFF  }
0xa5: {  	s26 =	simm.s32 $execute0_lowered;
	[smem:$0x3FD2] =	sst s25  }
0xa6: {  	s5 =	sshll.u32 s26, $0x1;
	_ =	strace $0x80000046;
	[dreg:$0x1] =	wrdreg $0xFFFFFFFF  }
0xa7: {  	s28 =	simm.s32 $_size_execute0_lowered;
	s3 =	sadd.s32 s3, s5;
	[dreg:$0x0] =	wrdreg $0x0  }
0xa8: {  	s5 =	sshll.u32 s28, $0x1;
	[dreg:$0x2] =	wrdreg s3  }
0xa9: {  	[dreg:$0x3] =	wrdreg s5  }
0xaa: {  	[dreg:$0x4] =	wrdreg $0xC0  }
0xab: {  	_ =	task [dreg:s7], $0x5FFFF  }
0xac: {  	[dreg:$0x1] =	wrdreg $0xFFFFFFFF  }
0xad: {  	[dreg:$0x0] =	wrdreg $0x60  }
0xae: {  	[dreg:$0x2] =	wrdreg s24  }
0xaf: {  	[dreg:$0x3] =	wrdreg s2  }
0xb0: {  	[dreg:$0x4] =	wrdreg $0x9  }
0xb1: {  	_ =	task.clear_ibuf [dreg:s7], $0x5FFFF;
	_ =	strace $0x90000046  }
0xb2: {  	s29 =	simm.s32 $0x9;
	_ =	strace $0x80000048  }
0xb3: {  	_ =	swait.ge [sflag:s29], $0x1  }
0xb4: {  	[sflag:s29] =	ssyncadd.s32 $0xFFFFFFFF  }
0xb5: {  	_ =	strace $0x90000048  }
0xb6: {  	_ =	sfence  }
0xb7: {  	s30 =	sld [smem:$0x0];
	_ =	sdelay $0x2  }
0xb8: {  	s31 =	sshll.u32 s1, $0xD;
	s1 =	sshrl.u32 s1, $0x2  }
0xb9: {  	s3 =	sand.u32 $0x4000, s31;
	s1 =	sadd.s32 s1, s30  }
0xba: {  	s0 =	sor.u32 s3, s0;
	s1 =	sshll.u32 s1, $0x11  }
0xbb: {  	s0 =	sor.u32 s1, s0  }
0xbc: {  	s0 =	sadd.s32 $0x8F2B, s0  }
0xbd: {  	[sflag:s0] =	ssyncadd.remote.s32 $0x1  }
0xbe: {  	_ =	sfence.sel $0xFFFF  }
0xbf: {  	[dreg:$0x0] =	wrdreg $0xFFFFFFFF;
	(pc) =	sbr.abs _section_cstart, $3  }
0xc0: {  	[dreg:$0x1] =	wrdreg $0xFFFFFFFF  }
0xc1: {  	_ =	task.clear_ibuf [dreg:s7], $0x2FFFF;
	_ =	strace $0x9FFFFFFF  }
0xc2: {  	(tm) =	ssettm $0x7FFFFFFF  }
0xc3: {  	_ =	shalt  }
tec
execute0_lowered:
.L_overlay_start_1:
0x0: {  	(tag) =	ssettag $0x1  }
0x1: {  	s1 =	srdreg.scid  }
0x2: {  	s0 =	stileid.u32;
	s3 =	rddreg [dreg:$0x0]  }
0x3: {  	s5 =	rddreg [dreg:$0x1];
	s2 =	simm.s32 $0x0;
	s15 =	simm.s32 $0x80  }
0x4: {  	s14 =	simm.s32 $0x1;
	s4 =	sand.u32 $0x1, s1;
	s1 =	rddreg [dreg:$0x2]  }
0x5: {  	p0 =	por $0x0, $0x0;
	s28 =	sshll.u32 s0, $0x1;
	[smem:$0x7FF] =	sst s2  }
0x6: {  	s6 =	sor.u32 s4, s28;
	_ =	strace $0x80000047;
	s4 =	ssub.s32 $0x2, s4  }
0x7: {  	s8 =	smul.u32 $0x60, s6;
	s10 =	sshrl.u32 s4, $0x1;
	s6 =	sshll.u32 s6, $0x3  }
0x8: {  	v1 =	vlaneseq.u32;
	s10 =	ssub.s32 s4, s10;
	s29 =	sadd.s32 $0x13880, s6;
	s6 =	simm.s32 $0x2  }
0x9: {  	v1 =	vmul.u32 $0xFFFFFFFF, v1;
	s7 =	sshrl.u32 s8, $0x3;
	s30 =	sor.u32 $0x10, s8;
	s17 =	smax.u32 s10, $0x1  }
0xa: {  	s31 =	sadd.s32 $0x20, s8;
	s11 =	sadd.s32 $0x30, s8;
	p1 =	sne.s32 s17, $0x1  }
.Ltmp0:
0xb: {  	v1 =	vadd.s32 $0xBB8, v1;
	s12 =	sadd.s32 $0x40, s8;
	s13 =	sadd.s32 $0x50, s8;
	v2 =	vmov s8;
	(pc) =	sbr.rel @!p1 .LBB2_3-.Ltmp0, $4  }
0xc: {  	v0 =	vmov s29;
	s10 =	simm.s32 $0x180;
	s9 =	sadd.s32 s7, s3;
	s7 =	sadd.s32 s5, s7;
	v3 =	vmov s30;
	v4 =	vmov s31  }
0xd: {  	v5 =	vmov s11;
	v6 =	vmov s12;
	v7 =	vmov s13;
	s12 =	simm.s32 $0x200;
	s13 =	simm.s32 $0x260;
	s11 =	simm.s32 $0x320  }
0xe: {  	vm2 =	vlt.u32 v2, v1;
	s17 =	sadd.s32 $0xFFFFFFFF, s17;
	s16 =	sadd.s32 $0x2800, s9;
	s8 =	sadd.s32 $0x180, s7;
	vm1 =	vlt.u32 v7, v1;
	vm4 =	vlt.u32 v6, v1  }
0xf: {  	s5 =	sadd.s32 $0x300, s7;
	s4 =	sadd.s32 $0x480, s7;
	vm0 =	vlt.u32 v5, v1;
	s9 =	simm.s32 $0x2C0;
	vm5 =	vlt.u32 v4, v1;
	vm3 =	vlt.u32 v3, v1  }
0x10: {  	[tilespmem:s2], [sflag:$0x2] =	stream.linear.gather [hbm4b:s16+s2], $0x60, $0x38;
	[tilespmem:$0x380] =	vst v63  }
0x11: {  	_ =	swait.ge [sflag:s6], $0x60  }
0x12: {  	[sflag:s6] =	ssyncset.done $0x0  }
0x13: {  	[sflag:s6] =	ssyncadd.s32 $0xFFFFFFA0  }
0x14: {  	v1 =	vld [tilespmem:$0x20]  }
0x15: {  	v2 =	vld [tilespmem:$0x40]  }
0x16: {  	v3 =	vld [tilespmem:$0x10]  }
0x17: {  	v4 =	vld [tilespmem:$0x40]  }
0x18: {  	v5 =	vld [tilespmem:$0x30]  }
0x19: {  	v6 =	vld [tilespmem:$0x20];
	v1 =	vshll.u32 v1, $0x2  }
0x1a: {  	v7 =	vld [tilespmem:$0x50];
	v2 =	vshll.u32 v2, $0x2;
	v1 =	vor.u32 $0x3, v1  }
0x1b: {  	v8 =	vld [tilespmem:$0x0];
	v2 =	vor.u32 $0x3, v2;
	v1 =	vsel vm5, v1, v0  }
0x1c: {  	v9 =	vld [tilespmem:$0x0];
	v3 =	vshll.u32 v3, $0x2;
	[tilespmem:$0x1C0] =	vst v1;
	v1 =	vsel vm4, v2, v0  }
0x1d: {  	v45 =	vld [tilespmem:$0x30];
	v2 =	vsel vm3, v3, v0;
	v3 =	vshll.u32 v5, $0x2;
	[tilespmem:$0x1E0] =	vst v1  }
0x1e: {  	[tilespmem:$0x90] =	vst v2;
	v1 =	vshll.u32 v6, $0x2;
	v2 =	vsel vm0, v3, v0;
	v3 =	vld [tilespmem:$0x40]  }
0x1f: {  	v46 =	vld [tilespmem:$0x50];
	v1 =	vsel vm5, v1, v0;
	[tilespmem:$0xB0] =	vst v2;
	v2 =	vshll.u32 v7, $0x2  }
0x20: {  	v47 =	vld [tilespmem:$0x10];
	v48 =	vshll.u32 v8, $0x2;
	[tilespmem:$0xA0] =	vst v1;
	v1 =	vshll.u32 v4, $0x2;
	v2 =	vsel vm1, v2, v0  }
0x21: {  	v49 =	vld [tilespmem:$0x0];
	v1 =	vsel vm4, v1, v0;
	[tilespmem:$0xD0] =	vst v2;
	v2 =	vor.u32 $0x1, v48  }
0x22: {  	v51 =	vld [tilespmem:$0x50];
	v50 =	vshll.u32 v9, $0x2;
	[tilespmem:$0xC0] =	vst v1;
	v1 =	vsel vm2, v2, v0;
	v2 =	vshll.u32 v45, $0x2  }
0x23: {  	v8 =	vsel vm2, v50, v0;
	[tilespmem:$0xE0] =	vst v1;
	v1 =	vor.u32 $0x1, v2;
	v2 =	vshll.u32 v3, $0x2;
	v3 =	vld [tilespmem:$0x10]  }
0x24: {  	v52 =	vld [tilespmem:$0x30];
	[tilespmem:$0x80] =	vst v8;
	v6 =	vshll.u32 v46, $0x2;
	v1 =	vsel vm0, v1, v0;
	v2 =	vor.u32 $0x1, v2  }
0x25: {  	v53 =	vld [tilespmem:$0x20];
	v7 =	vshll.u32 v47, $0x2;
	[tilespmem:$0x110] =	vst v1;
	v1 =	vsel vm4, v2, v0;
	v2 =	vor.u32 $0x1, v6  }
0x26: {  	v55 =	vld [tilespmem:$0x20];
	v54 =	vor.u32 $0x3, v7;
	[tilespmem:$0x120] =	vst v1;
	v1 =	vsel vm1, v2, v0;
	v2 =	vshll.u32 v49, $0x2  }
0x27: {  	v57 =	vld [tilespmem:$0x40];
	v56 =	vsel vm3, v54, v0;
	[tilespmem:$0x130] =	vst v1;
	v1 =	vor.u32 $0x2, v2;
	v2 =	vshll.u32 v51, $0x2  }
0x28: {  	v58 =	vld [tilespmem:$0x50];
	[tilespmem:$0x1B0] =	vst v56;
	v1 =	vsel vm2, v1, v0;
	v3 =	vshll.u32 v3, $0x2;
	v2 =	vor.u32 $0x3, v2  }
0x29: {  	v59 =	vld [tilespmem:$0x10];
	[tilespmem:$0x140] =	vst v1;
	v1 =	vor.u32 $0x2, v3;
	v3 =	vshll.u32 v52, $0x2;
	v2 =	vsel vm1, v2, v0  }
0x2a: {  	v61 =	vld [tilespmem:$0x0];
	v60 =	vshll.u32 v53, $0x2;
	v1 =	vsel vm3, v1, v0;
	v3 =	vor.u32 $0x3, v3;
	[tilespmem:$0x1F0] =	vst v2  }
0x2b: {  	v62 =	vld [tilespmem:$0x30];
	v7 =	vshll.u32 v55, $0x2;
	v2 =	vor.u32 $0x1, v60;
	[tilespmem:$0x150] =	vst v1;
	v1 =	vsel vm0, v3, v0  }
0x2c: {  	v6 =	vshll.u32 v57, $0x2;
	v2 =	vsel vm5, v2, v0;
	v3 =	vor.u32 $0x2, v7;
	[tilespmem:$0x1D0] =	vst v1  }
0x2d: {  	v1 =	vsel vm5, v3, v0;
	v3 =	vor.u32 $0x2, v6;
	[tilespmem:$0x100] =	vst v2;
	v2 =	vshll.u32 v58, $0x2  }
0x2e: {  	v4 =	vshll.u32 v59, $0x2;
	v3 =	vsel vm4, v3, v0;
	[tilespmem:$0x160] =	vst v1;
	v1 =	vor.u32 $0x2, v2  }
0x2f: {  	v63 =	vshll.u32 v61, $0x2;
	v2 =	vor.u32 $0x1, v4;
	[tilespmem:$0x180] =	vst v3;
	v1 =	vsel vm1, v1, v0  }
0x30: {  	v4 =	vor.u32 $0x3, v63;
	v2 =	vsel vm3, v2, v0;
	v3 =	vshll.u32 v62, $0x2;
	[tilespmem:$0x190] =	vst v1  }
0x31: {  	v1 =	vor.u32 $0x2, v3;
	v3 =	vsel vm2, v4, v0;
	[tilespmem:$0xF0] =	vst v2  }
0x32: {  	v1 =	vsel vm0, v1, v0;
	[tilespmem:$0x1A0] =	vst v3  }
0x33: {  	[tilespmem:$0x170] =	vst v1  }
0x34: {  	[tilespmem:s12], [sflag:$0x1] =	stream.indirect.gather [hbm4b:s3+s10], $0x1, s15, s10, $0xb8;
	[tilespmem:$0x380] =	vst v63  }
0x35: {  	_ =	swait.ge [sflag:s14], $0x180  }
0x36: {  	[sflag:s14] =	ssyncset.done $0x0  }
0x37: {  	[sflag:s14] =	ssyncadd.s32 $0xFFFFFE80  }
0x38: {  	[hbm4b:s7+s2] =	stream.linear.scatter [tilespmem:s12], [sflag:$0x2], $0x60, $0x38;
	[tilespmem:$0x380] =	vst v63  }
0x39: {  	_ =	swait.ge [sflag:s6], $0x60  }
0x3a: {  	[sflag:s6] =	ssyncset.done $0x0  }
0x3b: {  	p1 =	sne.s32 s17, $0x1;
	[sflag:s6] =	ssyncadd.s32 $0xFFFFFFA0  }
0x3c: {  	[hbm4b:s8+s2] =	stream.linear.scatter [tilespmem:s13], [sflag:$0x2], $0x60, $0x38;
	[tilespmem:$0x380] =	vst v63  }
.Ltmp1:
0x3d: {  	_ = 	snop;
	(pc) =	sbr.rel @!p1 .LBB2_3-.Ltmp1, $4  }
0x3e: {  	_ =	swait.ge [sflag:s6], $0x60  }
0x3f: {  	[sflag:s6] =	ssyncset.done $0x0  }
0x40: {  	s17 =	sadd.s32 $0xFFFFFFFF, s17;
	p0 =	por $0x1, $0x1;
	[sflag:s6] =	ssyncadd.s32 $0xFFFFFFA0  }
0x41: {  	[hbm4b:s5+s2] =	stream.linear.scatter [tilespmem:s9], [sflag:$0x2], $0x60, $0x38;
	[tilespmem:$0x380] =	vst v63  }
.LBB2_2:
0x42: {  	p1 =	sne.s32 s17, $0x1;
	s17 =	sadd.s32 $0xFFFFFFFF, s17;
	_ =	swait.ge [sflag:s6], $0x60  }
0x43: {  	[sflag:s6] =	ssyncset.done $0x0  }
0x44: {  	[sflag:s6] =	ssyncadd.s32 $0xFFFFFFA0  }
0x45: {  	[hbm4b:s4+s2] =	stream.linear.scatter [tilespmem:s11], [sflag:$0x2], $0x60, $0x38;
	[tilespmem:$0x380] =	vst v63  }
0x46: {  	_ =	swait.ge [sflag:s6], $0x60  }
0x47: {  	[sflag:s6] =	ssyncset.done $0x0  }
0x48: {  	[sflag:s6] =	ssyncadd.s32 $0xFFFFFFA0  }
0x49: {  	[tilespmem:s2], [sflag:$0x2] =	stream.linear.gather [hbm4b:s16+s2], $0x60, $0x38;
	[tilespmem:$0x380] =	vst v63  }
0x4a: {  	_ =	swait.ge [sflag:s6], $0x60  }
0x4b: {  	[sflag:s6] =	ssyncset.done $0x0  }
0x4c: {  	[sflag:s6] =	ssyncadd.s32 $0xFFFFFFA0  }
0x4d: {  	v1 =	vld [tilespmem:$0x10]  }
0x4e: {  	v2 =	vld [tilespmem:$0x40]  }
0x4f: {  	v3 =	vld [tilespmem:$0x20]  }
0x50: {  	v4 =	vld [tilespmem:$0x10]  }
0x51: {  	v5 =	vld [tilespmem:$0x40]  }
0x52: {  	v6 =	vld [tilespmem:$0x30]  }
0x53: {  	v7 =	vld [tilespmem:$0x0]  }
0x54: {  	v8 =	vld [tilespmem:$0x20];
	v3 =	vshll.u32 v3, $0x2  }
0x55: {  	v2 =	vshll.u32 v2, $0x2;
	v9 =	vld [tilespmem:$0x50];
	v3 =	vor.u32 $0x3, v3  }
0x56: {  	v2 =	vor.u32 $0x3, v2;
	v4 =	vshll.u32 v4, $0x2;
	v10 =	vld [tilespmem:$0x0];
	v3 =	vsel vm5, v3, v0  }
0x57: {  	v1 =	vshll.u32 v1, $0x2;
	v2 =	vsel vm4, v2, v0;
	v4 =	vor.u32 $0x3, v4;
	v11 =	vld [tilespmem:$0x20];
	[tilespmem:$0x1C0] =	vst v3  }
0x58: {  	v1 =	vsel vm3, v1, v0;
	v3 =	vshll.u32 v6, $0x2;
	v4 =	vsel vm3, v4, v0;
	v6 =	vld [tilespmem:$0x30];
	[tilespmem:$0x1E0] =	vst v2  }
0x59: {  	v2 =	vshll.u32 v7, $0x2;
	v3 =	vsel vm0, v3, v0;
	[tilespmem:$0x90] =	vst v1;
	v1 =	vshll.u32 v8, $0x2;
	v7 =	vld [tilespmem:$0x40]  }
0x5a: {  	v2 =	vsel vm2, v2, v0;
	v1 =	vsel vm5, v1, v0;
	[tilespmem:$0xB0] =	vst v3;
	v3 =	vshll.u32 v9, $0x2;
	v8 =	vld [tilespmem:$0x50]  }
0x5b: {  	[tilespmem:$0xA0] =	vst v1;
	v1 =	vshll.u32 v5, $0x2;
	v3 =	vsel vm1, v3, v0;
	v5 =	vshll.u32 v10, $0x2;
	v9 =	vld [tilespmem:$0x10]  }
0x5c: {  	v1 =	vsel vm4, v1, v0;
	[tilespmem:$0xD0] =	vst v3;
	v3 =	vor.u32 $0x1, v5;
	v5 =	vshll.u32 v11, $0x2;
	v10 =	vld [tilespmem:$0x0]  }
0x5d: {  	[tilespmem:$0xC0] =	vst v1;
	v1 =	vsel vm2, v3, v0;
	v3 =	vor.u32 $0x1, v5;
	v5 =	vshll.u32 v6, $0x2;
	v6 =	vld [tilespmem:$0x50]  }
0x5e: {  	[tilespmem:$0xE0] =	vst v1;
	v1 =	vsel vm5, v3, v0;
	v3 =	vor.u32 $0x1, v5;
	v5 =	vshll.u32 v7, $0x2;
	v7 =	vld [tilespmem:$0x10]  }
0x5f: {  	[tilespmem:$0x80] =	vst v2;
	v2 =	vsel vm0, v3, v0;
	v3 =	vor.u32 $0x1, v5;
	v5 =	vshll.u32 v8, $0x2;
	v8 =	vld [tilespmem:$0x30]  }
0x60: {  	v9 =	vshll.u32 v9, $0x2;
	[tilespmem:$0x110] =	vst v2;
	v2 =	vsel vm4, v3, v0;
	v3 =	vor.u32 $0x1, v5;
	v5 =	vld [tilespmem:$0x20]  }
0x61: {  	v9 =	vor.u32 $0x1, v9;
	[tilespmem:$0x120] =	vst v2;
	v2 =	vsel vm1, v3, v0;
	v3 =	vshll.u32 v10, $0x2;
	v10 =	vld [tilespmem:$0x40]  }
0x62: {  	v9 =	vsel vm3, v9, v0;
	[tilespmem:$0x130] =	vst v2;
	v2 =	vor.u32 $0x2, v3;
	v3 =	vld [tilespmem:$0x30];
	v6 =	vshll.u32 v6, $0x2  }
0x63: {  	v2 =	vsel vm2, v2, v0;
	v7 =	vshll.u32 v7, $0x2;
	v11 =	vld [tilespmem:$0x50];
	[tilespmem:$0x1B0] =	vst v4;
	v4 =	vor.u32 $0x3, v6  }
0x64: {  	[tilespmem:$0x140] =	vst v2;
	v2 =	vor.u32 $0x2, v7;
	v6 =	vld [tilespmem:$0x0];
	v7 =	vshll.u32 v8, $0x2;
	v4 =	vsel vm1, v4, v0  }
0x65: {  	v2 =	vsel vm3, v2, v0;
	v5 =	vshll.u32 v5, $0x2;
	v7 =	vor.u32 $0x3, v7;
	[tilespmem:$0x1F0] =	vst v4  }
0x66: {  	[tilespmem:$0x150] =	vst v2;
	v2 =	vor.u32 $0x2, v5;
	v4 =	vshll.u32 v10, $0x2;
	v5 =	vsel vm0, v7, v0  }
0x67: {  	v2 =	vsel vm5, v2, v0;
	v4 =	vor.u32 $0x2, v4;
	[tilespmem:$0x1D0] =	vst v5  }
0x68: {  	[tilespmem:$0x100] =	vst v1;
	v1 =	vshll.u32 v3, $0x2;
	v3 =	vsel vm4, v4, v0;
	v4 =	vshll.u32 v11, $0x2  }
0x69: {  	[tilespmem:$0x160] =	vst v2;
	v1 =	vor.u32 $0x2, v1;
	v2 =	vor.u32 $0x2, v4;
	v4 =	vshll.u32 v6, $0x2  }
0x6a: {  	v1 =	vsel vm0, v1, v0;
	[tilespmem:$0x180] =	vst v3;
	v2 =	vsel vm1, v2, v0;
	v3 =	vor.u32 $0x3, v4  }
0x6b: {  	[tilespmem:$0x190] =	vst v2;
	v2 =	vsel vm2, v3, v0  }
0x6c: {  	[tilespmem:$0xF0] =	vst v9  }
0x6d: {  	[tilespmem:$0x1A0] =	vst v2  }
0x6e: {  	[tilespmem:$0x170] =	vst v1  }
0x6f: {  	[tilespmem:s12], [sflag:$0x1] =	stream.indirect.gather [hbm4b:s3+s10], $0x1, s15, s10, $0xb8;
	[tilespmem:$0x380] =	vst v63  }
0x70: {  	_ =	swait.ge [sflag:s14], $0x180  }
0x71: {  	[sflag:s14] =	ssyncset.done $0x0  }
0x72: {  	[sflag:s14] =	ssyncadd.s32 $0xFFFFFE80  }
0x73: {  	[hbm4b:s7+s2] =	stream.linear.scatter [tilespmem:s12], [sflag:$0x2], $0x60, $0x38;
	[tilespmem:$0x380] =	vst v63  }
0x74: {  	_ =	swait.ge [sflag:s6], $0x60  }
0x75: {  	[sflag:s6] =	ssyncset.done $0x0  }
0x76: {  	[sflag:s6] =	ssyncadd.s32 $0xFFFFFFA0  }
0x77: {  	[hbm4b:s8+s2] =	stream.linear.scatter [tilespmem:s13], [sflag:$0x2], $0x60, $0x38;
	[tilespmem:$0x380] =	vst v63  }
.Ltmp2:
0x78: {  	_ = 	snop;
	(pc) =	sbr.rel @p1 .LBB2_2-.Ltmp2, $4  }
0x79: {  	_ =	swait.ge [sflag:s6], $0x60  }
0x7a: {  	[sflag:s6] =	ssyncset.done $0x0  }
0x7b: {  	[sflag:s6] =	ssyncadd.s32 $0xFFFFFFA0  }
0x7c: {  	[hbm4b:s5+s2] =	stream.linear.scatter [tilespmem:s9], [sflag:$0x2], $0x60, $0x38;
	[tilespmem:$0x380] =	vst v63  }
.LBB2_3:
0x7d: {  	_ =	swait.ge @p0 [sflag:s6], $0x60  }
0x7e: {  	[sflag:s6] =	ssyncset.done @p0 $0x0  }
0x7f: {  	[sflag:s6] =	ssyncadd.s32 @p0 $0xFFFFFFA0  }
0x80: {  	[hbm4b:s4+s2] =	stream.linear.scatter @p0 [tilespmem:s11], [sflag:$0x2], $0x60, $0x38;
	[tilespmem:$0x380] =	vst v63  }
0x81: {  	_ =	swait.ge @p0 [sflag:s6], $0x60  }
0x82: {  	[sflag:s6] =	ssyncset.done @p0 $0x0  }
0x83: {  	[sflag:s6] =	ssyncadd.s32 @p0 $0xFFFFFFA0  }
0x84: {  	[tilespmem:s2], [sflag:$0x2] =	stream.linear.gather [hbm4b:s16+s2], $0x60, $0x38;
	[tilespmem:$0x380] =	vst v63  }
0x85: {  	_ =	swait.ge [sflag:s6], $0x60  }
0x86: {  	[sflag:s6] =	ssyncset.done $0x0  }
0x87: {  	[sflag:s6] =	ssyncadd.s32 $0xFFFFFFA0  }
0x88: {  	v1 =	vld [tilespmem:$0x20]  }
0x89: {  	v2 =	vld [tilespmem:$0x40]  }
0x8a: {  	v3 =	vld [tilespmem:$0x10]  }
0x8b: {  	v4 =	vld [tilespmem:$0x40]  }
0x8c: {  	v5 =	vld [tilespmem:$0x30]  }
0x8d: {  	v6 =	vld [tilespmem:$0x20]  }
0x8e: {  	v7 =	vld [tilespmem:$0x50]  }
0x8f: {  	v9 =	vld [tilespmem:$0x0]  }
0x90: {  	v8 =	vld [tilespmem:$0x0]  }
0x91: {  	v19 =	vld [tilespmem:$0x50]  }
0x92: {  	v20 =	vld [tilespmem:$0x10];
	v1 =	vshll.u32 v1, $0x2;
	v2 =	vshll.u32 v2, $0x2;
	v3 =	vshll.u32 v3, $0x2  }
0x93: {  	v45 =	vld [tilespmem:$0x10];
	v13 =	vshll.u32 v5, $0x2;
	v15 =	vshll.u32 v6, $0x2;
	v12 =	vsel vm3, v3, v0  }
0x94: {  	v49 =	vld [tilespmem:$0x0];
	v18 =	vshll.u32 v7, $0x2;
	v25 =	vshll.u32 v9, $0x2;
	v16 =	vsel vm0, v13, v0;
	[tilespmem:$0x90] =	vst v12  }
0x95: {  	v51 =	vld [tilespmem:$0x30];
	v22 =	vshll.u32 v8, $0x2;
	v1 =	vor.u32 $0x3, v1;
	v8 =	vsel vm2, v25, v0;
	[tilespmem:$0xB0] =	vst v16  }
0x96: {  	v31 =	vld [tilespmem:$0x10];
	v21 =	vshll.u32 v4, $0x2;
	v2 =	vor.u32 $0x3, v2;
	v1 =	vsel vm5, v1, v0;
	[tilespmem:$0x80] =	vst v8  }
0x97: {  	v32 =	vld [tilespmem:$0x30];
	v6 =	vshll.u32 v19, $0x2;
	v7 =	vshll.u32 v20, $0x2;
	v11 =	vsel vm4, v2, v0;
	[tilespmem:$0x1C0] =	vst v1  }
0x98: {  	v37 =	vld [tilespmem:$0x20];
	v4 =	vshll.u32 v45, $0x2;
	v23 =	vor.u32 $0x1, v22;
	v2 =	vsel vm1, v18, v0;
	[tilespmem:$0x1E0] =	vst v11  }
0x99: {  	v59 =	vshll.u32 v49, $0x2;
	v35 =	vor.u32 $0x1, v6;
	v26 =	vsel vm2, v23, v0;
	[tilespmem:$0xD0] =	vst v2  }
0x9a: {  	v41 =	vld [tilespmem:$0x40];
	v60 =	vshll.u32 v51, $0x2;
	v36 =	vor.u32 $0x3, v7;
	v38 =	vsel vm1, v35, v0;
	[tilespmem:$0xE0] =	vst v26  }
0x9b: {  	v58 =	vor.u32 $0x1, v4;
	v4 =	vor.u32 $0x3, v59;
	v40 =	vsel vm3, v36, v0;
	[tilespmem:$0x130] =	vst v38  }
0x9c: {  	v17 =	vld [tilespmem:$0x40];
	v47 =	vshll.u32 v32, $0x2;
	v61 =	vor.u32 $0x2, v60;
	v62 =	vsel vm2, v4, v0;
	[tilespmem:$0x1B0] =	vst v40  }
0x9d: {  	v14 =	vld [tilespmem:$0x30];
	v3 =	vshll.u32 v31, $0x2;
	v7 =	vshll.u32 v37, $0x2;
	v63 =	vsel vm0, v61, v0;
	[tilespmem:$0x1A0] =	vst v62  }
0x9e: {  	v28 =	vld [tilespmem:$0x50];
	v46 =	vor.u32 $0x2, v3;
	v3 =	vor.u32 $0x3, v47;
	v1 =	vsel vm5, v15, v0;
	[tilespmem:$0x170] =	vst v63  }
0x9f: {  	v24 =	vld [tilespmem:$0x0];
	v6 =	vshll.u32 v41, $0x2;
	v53 =	vor.u32 $0x2, v7;
	v52 =	vsel vm0, v3, v0;
	[tilespmem:$0xA0] =	vst v1  }
0xa0: {  	v33 =	vld [tilespmem:$0x20];
	v55 =	vor.u32 $0x2, v6;
	v54 =	vsel vm5, v53, v0;
	[tilespmem:$0x1D0] =	vst v52  }
0xa1: {  	v30 =	vshll.u32 v17, $0x2;
	v3 =	vsel vm4, v55, v0;
	[tilespmem:$0x160] =	vst v54  }
0xa2: {  	v27 =	vshll.u32 v14, $0x2;
	v2 =	vor.u32 $0x1, v30;
	v1 =	vsel vm4, v21, v0;
	[tilespmem:$0x180] =	vst v3  }
0xa3: {  	v44 =	vld [tilespmem:$0x50];
	v43 =	vshll.u32 v28, $0x2;
	v29 =	vor.u32 $0x1, v27;
	v34 =	vsel vm4, v2, v0;
	[tilespmem:$0xC0] =	vst v1  }
0xa4: {  	v39 =	vshll.u32 v24, $0x2;
	v2 =	vor.u32 $0x3, v43;
	v1 =	vsel vm0, v29, v0;
	[tilespmem:$0x120] =	vst v34  }
0xa5: {  	v48 =	vshll.u32 v33, $0x2;
	v42 =	vor.u32 $0x2, v39;
	v2 =	vsel vm1, v2, v0;
	[tilespmem:$0x110] =	vst v1  }
0xa6: {  	v50 =	vor.u32 $0x1, v48;
	v1 =	vsel vm2, v42, v0;
	[tilespmem:$0x1F0] =	vst v2  }
0xa7: {  	v2 =	vsel vm5, v50, v0;
	[tilespmem:$0x140] =	vst v1  }
0xa8: {  	v56 =	vshll.u32 v44, $0x2;
	v1 =	vsel vm3, v46, v0;
	[tilespmem:$0x100] =	vst v2  }
0xa9: {  	v57 =	vor.u32 $0x2, v56;
	v2 =	vsel vm3, v58, v0;
	[tilespmem:$0x150] =	vst v1  }
0xaa: {  	v1 =	vsel vm1, v57, v0;
	[tilespmem:$0xF0] =	vst v2  }
0xab: {  	[tilespmem:$0x190] =	vst v1  }
0xac: {  	[tilespmem:s12], [sflag:$0x1] =	stream.indirect.gather [hbm4b:s3+s10], $0x1, s15, s10, $0xb8;
	[tilespmem:$0x380] =	vst v63  }
0xad: {  	_ =	swait.ge [sflag:s14], $0x180  }
0xae: {  	[sflag:s14] =	ssyncset.done $0x0  }
0xaf: {  	[sflag:s14] =	ssyncadd.s32 $0xFFFFFE80  }
0xb0: {  	[hbm4b:s7+s2] =	stream.linear.scatter [tilespmem:s12], [sflag:$0x2], $0x60, $0x38;
	[tilespmem:$0x380] =	vst v63  }
0xb1: {  	_ =	swait.ge [sflag:s6], $0x60  }
0xb2: {  	[sflag:s6] =	ssyncset.done $0x0  }
0xb3: {  	[sflag:s6] =	ssyncadd.s32 $0xFFFFFFA0  }
0xb4: {  	[hbm4b:s8+s2] =	stream.linear.scatter [tilespmem:s13], [sflag:$0x2], $0x60, $0x38;
	[tilespmem:$0x380] =	vst v63  }
0xb5: {  	_ =	swait.ge [sflag:s6], $0x60  }
0xb6: {  	[sflag:s6] =	ssyncset.done $0x0  }
0xb7: {  	[sflag:s6] =	ssyncadd.s32 $0xFFFFFFA0  }
0xb8: {  	[hbm4b:s5+s2] =	stream.linear.scatter [tilespmem:s9], [sflag:$0x2], $0x60, $0x38;
	[tilespmem:$0x380] =	vst v63  }
0xb9: {  	_ =	swait.ge [sflag:s6], $0x60  }
0xba: {  	[sflag:s6] =	ssyncset.done $0x0  }
0xbb: {  	[sflag:s6] =	ssyncadd.s32 $0xFFFFFFA0  }
0xbc: {  	[hbm4b:s4+s2] =	stream.linear.scatter [tilespmem:s11], [sflag:$0x2], $0x60, $0x38;
	[tilespmem:$0x380] =	vst v63  }
0xbd: {  	_ =	swait.ge [sflag:s6], $0x60  }
0xbe: {  	[sflag:s6] =	ssyncset.done $0x0  }
0xbf: {  	[sflag:s6] =	ssyncadd.s32 $0xFFFFFFA0  }
0xc0: {  	_ =	sfence.sel $0x180000  }
0xc1: {  	[bflag:$0x0] =	sbarrier.arrive $0xFFFF  }
0xc2: {  	p0 =	sne.s32 s0, $0x0;
	_ =	strace $0x90000047  }
0xc3: {  	s0 =	sadd.s32 @!p0 $0x100000, s1;
	[bflag:$0x2] =	sbarrier.arrive $0xFFFF  }
0xc4: {  	[sflag:s0] =	ssyncadd.tile.s32 @!p0 $0x1;
	_ =	shalt  }
.Lfunc_end2:
_tile_overlayer_lowered:
.L_overlay_start_2:
0xc5: {  	(tag) =	ssettag $0x2  }
0xc6: {  	s0 =	rddreg [dreg:$0x0];
	s2 =	stileid.u32  }
0xc7: {  	s1 =	rddreg [dreg:$0x1];
	p0 =	sne.s32 s2, $0x0  }
0xc8: {  	s3 =	rddreg [dreg:$0x2];
	[bflag:$0x3] =	sbarrier.arrive $0xFFFF;
	s2 =	simm.s32 @!p0 $0x1C02  }
0xc9: {  	[timem:s3], [sflag:s2] =	dma.local @!p0 [hbm:s0], s1  }
0xca: {  	s0 =	simm.s32 @!p0 $0x2  }
0xcb: {  	_ =	swait.ge @!p0 [sflag:s0], s1  }
0xcc: {  	s1 =	ssub.s32 @!p0 $0x0, s1;
	[sflag:s0] =	ssyncset.done @!p0 $0x0  }
0xcd: {  	[sflag:s0] =	ssyncadd.s32 @!p0 s1  }
0xce: {  	[bflag:$0x3] =	sbarrier.arrive $0xFFFF  }
0xcf: {  	_ =	shalt  }

</sc_bundles>
